<compile_context>
chip_gen: v7x
topology: tpu7x:2x2x1
jax: 0.10.2.dev20260603
libtpu: 0.0.44.dev20260713+nightly
codegen_flags: <defaults>
</compile_context>

<pallas_src>
import jax
import jax.numpy as jnp
from jax import lax
from jax.experimental import pallas as pl
from jax.experimental.pallas import tpu as pltpu
from jax.experimental.pallas import tpu_sc as plsc

N_NODES = 10000
N_EDGES = 320000
D = 128

NC = 2
NS = 16
NW = NC * NS
EPW = N_EDGES // NW
B = 125
NB = EPW // B
N_PAD = 10112
RPT = N_PAD // NS
CW = 16


def _sc_aggregate_body(edges_hbm, x_hbm, zagg_hbm, zcnt_hbm,
                       ones_hbm, aggp_out, cntp_out,
                       src_v, dst_v, r0, r1, r2, r3, r4, ones_v,
                       agg_sh, cnt_sh, s0, s1, s2, s3, s4):
    c = lax.axis_index("c")
    s = lax.axis_index("s")
    wid = c * NS + s
    rows = (r0, r1, r2, r3, r4)
    sems = (s0, s1, s2, s3, s4)

    pltpu.sync_copy(edges_hbm.at[0, wid], src_v)
    pltpu.sync_copy(edges_hbm.at[1, wid], dst_v)
    pltpu.sync_copy(ones_hbm, ones_v)

    pltpu.sync_copy(zagg_hbm, agg_sh.at[pl.ds(s * RPT, RPT)])
    pltpu.sync_copy(zcnt_hbm, cnt_sh.at[pl.ds(s * RPT, RPT)])
    plsc.subcore_barrier()

    def start_gather(j, u):
        pltpu.make_async_copy(x_hbm.at[src_v.at[j]], rows[u], sems[u]).start()

    start_gather(0, 0)
    start_gather(1, 1)
    start_gather(2, 2)
    start_gather(3, 3)

    @pl.loop(0, NB, step=5)
    def _(j):
        for u in range(5):
            jj = j + u
            pltpu.make_async_copy(x_hbm.at[src_v.at[jj]], rows[u],
                                  sems[u]).wait()
            pltpu.sync_copy(rows[u], agg_sh.at[dst_v.at[jj]], add=True)
            pltpu.sync_copy(ones_v, cnt_sh.at[dst_v.at[jj]], add=True)

            @pl.when(jj + 4 < NB)
            def _():
                start_gather(jj + 4, (u + 4) % 5)

    plsc.subcore_barrier()

    pltpu.sync_copy(agg_sh.at[pl.ds(s * RPT, RPT)],
                    aggp_out.at[c, pl.ds(s * RPT, RPT)])
    pltpu.sync_copy(cnt_sh.at[pl.ds(s * RPT, RPT)],
                    cntp_out.at[c, pl.ds(s * RPT, RPT)])


_sc_aggregate = pl.kernel(
    _sc_aggregate_body,
    out_type=(
        jax.ShapeDtypeStruct((NC, N_PAD, D), jnp.bfloat16),
        jax.ShapeDtypeStruct((NC, N_PAD, CW), jnp.float32),
    ),
    mesh=plsc.VectorSubcoreMesh(core_axis_name="c", subcore_axis_name="s"),
    compiler_params=pltpu.CompilerParams(use_tc_tiling_on_sc=False),
    scratch_types=[
        pltpu.VMEM((NB, B), jnp.int32),
        pltpu.VMEM((NB, B), jnp.int32),
        pltpu.VMEM((B, D), jnp.bfloat16),
        pltpu.VMEM((B, D), jnp.bfloat16),
        pltpu.VMEM((B, D), jnp.bfloat16),
        pltpu.VMEM((B, D), jnp.bfloat16),
        pltpu.VMEM((B, D), jnp.bfloat16),
        pltpu.VMEM((B, CW), jnp.float32),
        pltpu.VMEM_SHARED((N_PAD, D), jnp.bfloat16),
        pltpu.VMEM_SHARED((N_PAD, CW), jnp.float32),
        pltpu.SemaphoreType.DMA,
        pltpu.SemaphoreType.DMA,
        pltpu.SemaphoreType.DMA,
        pltpu.SemaphoreType.DMA,
        pltpu.SemaphoreType.DMA,
    ],
)


def _tc_combine_body(x_ref, aggp_ref, cntp_ref, wl_ref, wr_ref, b_ref,
                     out_ref):
    agg = (aggp_ref[0].astype(jnp.float32) +
           aggp_ref[1].astype(jnp.float32))
    cnt = cntp_ref[0, :, 0:1] + cntp_ref[1, :, 0:1]
    mean = agg / jnp.maximum(cnt, 1.0)
    dn = (((1,), (1,)), ((), ()))
    acc = lax.dot_general(mean, wl_ref[...], dn,
                          preferred_element_type=jnp.float32)
    acc += lax.dot_general(x_ref[...], wr_ref[...], dn,
                           preferred_element_type=jnp.float32)
    out_ref[...] = jnp.maximum(acc + b_ref[...], 0.0)


_TC_ROWS = 1000


def _tc_combine(x, aggp, cntp, wl_t, wr_t, b2d):
    grid = (N_NODES // _TC_ROWS,)
    return pl.pallas_call(
        _tc_combine_body,
        grid=grid,
        in_specs=[
            pl.BlockSpec((_TC_ROWS, D), lambda i: (i, 0)),
            pl.BlockSpec((NC, _TC_ROWS, D), lambda i: (0, i, 0)),
            pl.BlockSpec((NC, _TC_ROWS, CW), lambda i: (0, i, 0)),
            pl.BlockSpec((D, D), lambda i: (0, 0)),
            pl.BlockSpec((D, D), lambda i: (0, 0)),
            pl.BlockSpec((1, D), lambda i: (0, 0)),
        ],
        out_specs=pl.BlockSpec((_TC_ROWS, D), lambda i: (i, 0)),
        out_shape=jax.ShapeDtypeStruct((N_NODES, D), jnp.float32),
    )(x, aggp, cntp, wl_t, wr_t, b2d)


def kernel(x, edge_index, W_l, b_l, W_r):
    edges = edge_index.reshape(2, NW, NB, B)
    zagg = jnp.zeros((RPT, D), jnp.bfloat16)
    zcnt = jnp.zeros((RPT, CW), jnp.float32)
    ones_col = jnp.zeros((B, CW), jnp.float32).at[:, 0].set(1.0)
    xb = x.astype(jnp.bfloat16)
    aggp, cntp = _sc_aggregate(edges, xb, zagg, zcnt, ones_col)
    return _tc_combine(x, aggp, cntp, W_l, W_r, b_l.reshape(1, D))

# --- scband reference (transcript-rebuilt; emitter-appended) ---
"""Pipeline reference for scband-sage-conv-and-activation-19146964206245 (READ-ONLY COPY).

The authoritative reference and input builder live on the scoring server;
editing this copy changes nothing except your own understanding.
"""

import jax, jax.numpy as jnp
import numpy as np

N_NODES = 10000
N_EDGES = 320000
D_IN = 128
D_OUT = 128

def setup_inputs(seed: int = 0) -> dict:
    key = jax.random.key(seed)
    k1, k2, k3, k4 = jax.random.split(key, 4)
    x = jax.random.normal(k1, (N_NODES, D_IN), dtype=jnp.float32)
    edge_index = jax.random.randint(k2, (2, N_EDGES), 0, N_NODES, dtype=jnp.int32)
    # PyG SAGEConv params: lin_l (neighbor transform, with bias), lin_r (root transform, no bias)
    scale = 1.0 / np.sqrt(D_IN)
    W_l = jax.random.normal(k3, (D_OUT, D_IN), dtype=jnp.float32) * scale
    b_l = jnp.zeros((D_OUT,), dtype=jnp.float32)
    W_r = jax.random.normal(k4, (D_OUT, D_IN), dtype=jnp.float32) * scale
    return {"x": x, "edge_index": edge_index, "W_l": W_l, "b_l": b_l, "W_r": W_r}

def reference(x, edge_index, W_l, b_l, W_r):
    # SAGEConv (mean aggregation): out = lin_l(mean_j x_j) + lin_r(x), then ReLU.
    src = edge_index[0]
    dst = edge_index[1]
    msg = jnp.take(x, src, axis=0)                                  # gather: [E, D_IN]
    agg = jax.ops.segment_sum(msg, dst, num_segments=N_NODES)       # scatter-add: [N, D_IN]
    cnt = jax.ops.segment_sum(jnp.ones((msg.shape[0],), dtype=x.dtype), dst, num_segments=N_NODES)
    agg = agg / jnp.clip(cnt, 1.0, None)[:, None]                    # mean aggregation
    out = agg @ W_l.T + b_l + x @ W_r.T
    return jax.nn.relu(out)

if __name__ == "__main__":
    import jax
    _d = setup_inputs()
    print(jax.jit(kernel)(*tuple(_d.values())))

</pallas_src>

<mosaic_0001>
#map = affine_map<(d0, d1) -> (0, 0, 0, 0)>
#map1 = affine_map<(d0, d1) -> (0, 0)>
#map2 = affine_map<(d0, d1) -> (0, 0, 0)>
module attributes {stable_mosaic.version = 14 : i64} {
  func.func @_sc_aggregate_body(%arg0: i32, %arg1: i32, %arg2: memref<2x32x80x125xi32, #tpu.memory_space<hbm>>, %arg3: memref<10000x128xbf16, #tpu.memory_space<hbm>>, %arg4: memref<632x128xbf16, #tpu.memory_space<hbm>>, %arg5: memref<632x16xf32, #tpu.memory_space<hbm>>, %arg6: memref<125x16xf32, #tpu.memory_space<hbm>>, %arg7: memref<2x10112x128xbf16, #tpu.memory_space<hbm>>, %arg8: memref<2x10112x16xf32, #tpu.memory_space<hbm>>, %arg9: memref<80x125xi32, #tpu.memory_space<vmem>>, %arg10: memref<80x125xi32, #tpu.memory_space<vmem>>, %arg11: memref<125x128xbf16, #tpu.memory_space<vmem>>, %arg12: memref<125x128xbf16, #tpu.memory_space<vmem>>, %arg13: memref<125x128xbf16, #tpu.memory_space<vmem>>, %arg14: memref<125x128xbf16, #tpu.memory_space<vmem>>, %arg15: memref<125x128xbf16, #tpu.memory_space<vmem>>, %arg16: memref<125x16xf32, #tpu.memory_space<vmem>>, %arg17: memref<10112x128xbf16, #tpu.memory_space<vmem_shared>>, %arg18: memref<10112x16xf32, #tpu.memory_space<vmem_shared>>, %arg19: memref<!tpu.dma_semaphore, #tpu.memory_space<semaphore_mem>>, %arg20: memref<!tpu.dma_semaphore, #tpu.memory_space<semaphore_mem>>, %arg21: memref<!tpu.dma_semaphore, #tpu.memory_space<semaphore_mem>>, %arg22: memref<!tpu.dma_semaphore, #tpu.memory_space<semaphore_mem>>, %arg23: memref<!tpu.dma_semaphore, #tpu.memory_space<semaphore_mem>>) attributes {dimension_semantics = [#tpu.dimension_semantics<core_parallel>, #tpu.dimension_semantics<subcore_parallel>], iteration_bounds = array<i64: 2, 16>, scalar_prefetch = 0 : i64, scratch_operands = 15 : i64, tpu.core_type = #tpu.core_type<sc_vector_subcore>, window_params = [{transform_indices = #map}, {transform_indices = #map1}, {transform_indices = #map1}, {transform_indices = #map1}, {transform_indices = #map1}, {transform_indices = #map2}, {transform_indices = #map2}]} {
    %mul3A = arith.constant 16 : i32
    %mul3A_0 = arith.muli %arg0, %mul3A : i32
    %add3A = arith.addi %mul3A_0, %arg1 : i32
    %run_scoped3A = arith.constant 0 : i32
    "tpu.region"() ({
      %run_scoped3A_46 = tpu.sem_alloc : memref<!tpu.dma_semaphore, #tpu.memory_space<semaphore_mem>>
      %dma_start3A_47 = arith.constant 0 : i32
      %dma_start3A_48 = arith.constant 0 : i32
      %dma_start3A_49 = tpu.memref_slice %arg2[%run_scoped3A, %add3A, %dma_start3A_47, %dma_start3A_48] : memref<2x32x80x125xi32, #tpu.memory_space<hbm>> -> memref<1x1x80x125xi32, #tpu.memory_space<hbm>>
      %dma_start3A_50 = tpu.memref_squeeze %dma_start3A_49 : memref<1x1x80x125xi32, #tpu.memory_space<hbm>> -> memref<80x125xi32, #tpu.memory_space<hbm>>
      %dma_start3A_51 = arith.constant 0 : i32
      %dma_start3A_52 = arith.constant 0 : i32
      %dma_start3A_53 = tpu.memref_slice %arg2[%run_scoped3A, %add3A, %dma_start3A_51, %dma_start3A_52] : memref<2x32x80x125xi32, #tpu.memory_space<hbm>> -> memref<1x1x80x125xi32, #tpu.memory_space<hbm>>
      %dma_start3A_54 = tpu.memref_squeeze %dma_start3A_53 : memref<1x1x80x125xi32, #tpu.memory_space<hbm>> -> memref<80x125xi32, #tpu.memory_space<hbm>>
      tpu.enqueue_dma source(%dma_start3A_54 : memref<80x125xi32, #tpu.memory_space<hbm>>) target(%arg9 : memref<80x125xi32, #tpu.memory_space<vmem>>) target_semaphore(%run_scoped3A_46 : memref<!tpu.dma_semaphore, #tpu.memory_space<semaphore_mem>>)
      %dma_wait3A = arith.constant 0 : i32
      %dma_wait3A_55 = arith.constant 0 : i32
      %dma_wait3A_56 = tpu.memref_slice %arg2[%run_scoped3A, %add3A, %dma_wait3A, %dma_wait3A_55] : memref<2x32x80x125xi32, #tpu.memory_space<hbm>> -> memref<1x1x80x125xi32, #tpu.memory_space<hbm>>
      %dma_wait3A_57 = tpu.memref_squeeze %dma_wait3A_56 : memref<1x1x80x125xi32, #tpu.memory_space<hbm>> -> memref<80x125xi32, #tpu.memory_space<hbm>>
      %dma_wait3A_58 = arith.constant 0 : i32
      %dma_wait3A_59 = arith.constant 0 : i32
      %dma_wait3A_60 = tpu.memref_slice %arg2[%run_scoped3A, %add3A, %dma_wait3A_58, %dma_wait3A_59] : memref<2x32x80x125xi32, #tpu.memory_space<hbm>> -> memref<1x1x80x125xi32, #tpu.memory_space<hbm>>
      %dma_wait3A_61 = tpu.memref_squeeze %dma_wait3A_60 : memref<1x1x80x125xi32, #tpu.memory_space<hbm>> -> memref<80x125xi32, #tpu.memory_space<hbm>>
      tpu.wait_dma2 semaphore(%run_scoped3A_46 : memref<!tpu.dma_semaphore, #tpu.memory_space<semaphore_mem>>) src(%dma_wait3A_61 : memref<80x125xi32, #tpu.memory_space<hbm>>) dst(%arg9 : memref<80x125xi32, #tpu.memory_space<vmem>>)
      tpu.yield
    }) : () -> ()
    %run_scoped3A_1 = arith.constant 1 : i32
    "tpu.region"() ({
      %run_scoped3A_46 = tpu.sem_alloc : memref<!tpu.dma_semaphore, #tpu.memory_space<semaphore_mem>>
      %dma_start3A_47 = arith.constant 0 : i32
      %dma_start3A_48 = arith.constant 0 : i32
      %dma_start3A_49 = tpu.memref_slice %arg2[%run_scoped3A_1, %add3A, %dma_start3A_47, %dma_start3A_48] : memref<2x32x80x125xi32, #tpu.memory_space<hbm>> -> memref<1x1x80x125xi32, #tpu.memory_space<hbm>>
      %dma_start3A_50 = tpu.memref_squeeze %dma_start3A_49 : memref<1x1x80x125xi32, #tpu.memory_space<hbm>> -> memref<80x125xi32, #tpu.memory_space<hbm>>
      %dma_start3A_51 = arith.constant 0 : i32
      %dma_start3A_52 = arith.constant 0 : i32
      %dma_start3A_53 = tpu.memref_slice %arg2[%run_scoped3A_1, %add3A, %dma_start3A_51, %dma_start3A_52] : memref<2x32x80x125xi32, #tpu.memory_space<hbm>> -> memref<1x1x80x125xi32, #tpu.memory_space<hbm>>
      %dma_start3A_54 = tpu.memref_squeeze %dma_start3A_53 : memref<1x1x80x125xi32, #tpu.memory_space<hbm>> -> memref<80x125xi32, #tpu.memory_space<hbm>>
      tpu.enqueue_dma source(%dma_start3A_54 : memref<80x125xi32, #tpu.memory_space<hbm>>) target(%arg10 : memref<80x125xi32, #tpu.memory_space<vmem>>) target_semaphore(%run_scoped3A_46 : memref<!tpu.dma_semaphore, #tpu.memory_space<semaphore_mem>>)
      %dma_wait3A = arith.constant 0 : i32
      %dma_wait3A_55 = arith.constant 0 : i32
      %dma_wait3A_56 = tpu.memref_slice %arg2[%run_scoped3A_1, %add3A, %dma_wait3A, %dma_wait3A_55] : memref<2x32x80x125xi32, #tpu.memory_space<hbm>> -> memref<1x1x80x125xi32, #tpu.memory_space<hbm>>
      %dma_wait3A_57 = tpu.memref_squeeze %dma_wait3A_56 : memref<1x1x80x125xi32, #tpu.memory_space<hbm>> -> memref<80x125xi32, #tpu.memory_space<hbm>>
      %dma_wait3A_58 = arith.constant 0 : i32
      %dma_wait3A_59 = arith.constant 0 : i32
      %dma_wait3A_60 = tpu.memref_slice %arg2[%run_scoped3A_1, %add3A, %dma_wait3A_58, %dma_wait3A_59] : memref<2x32x80x125xi32, #tpu.memory_space<hbm>> -> memref<1x1x80x125xi32, #tpu.memory_space<hbm>>
      %dma_wait3A_61 = tpu.memref_squeeze %dma_wait3A_60 : memref<1x1x80x125xi32, #tpu.memory_space<hbm>> -> memref<80x125xi32, #tpu.memory_space<hbm>>
      tpu.wait_dma2 semaphore(%run_scoped3A_46 : memref<!tpu.dma_semaphore, #tpu.memory_space<semaphore_mem>>) src(%dma_wait3A_61 : memref<80x125xi32, #tpu.memory_space<hbm>>) dst(%arg10 : memref<80x125xi32, #tpu.memory_space<vmem>>)
      tpu.yield
    }) : () -> ()
    "tpu.region"() ({
      %run_scoped3A_46 = tpu.sem_alloc : memref<!tpu.dma_semaphore, #tpu.memory_space<semaphore_mem>>
      tpu.enqueue_dma source(%arg6 : memref<125x16xf32, #tpu.memory_space<hbm>>) target(%arg16 : memref<125x16xf32, #tpu.memory_space<vmem>>) target_semaphore(%run_scoped3A_46 : memref<!tpu.dma_semaphore, #tpu.memory_space<semaphore_mem>>)
      tpu.wait_dma2 semaphore(%run_scoped3A_46 : memref<!tpu.dma_semaphore, #tpu.memory_space<semaphore_mem>>) src(%arg6 : memref<125x16xf32, #tpu.memory_space<hbm>>) dst(%arg16 : memref<125x16xf32, #tpu.memory_space<vmem>>)
      tpu.yield
    }) : () -> ()
    %mul3A_2 = arith.constant 632 : i32
    %mul3A_3 = arith.muli %arg1, %mul3A_2 : i32
    "tpu.region"() ({
      %run_scoped3A_46 = tpu.sem_alloc : memref<!tpu.dma_semaphore, #tpu.memory_space<semaphore_mem>>
      %dma_start3A_47 = arith.constant 0 : i32
      %dma_start3A_48 = tpu.memref_slice %arg17[%mul3A_3, %dma_start3A_47] : memref<10112x128xbf16, #tpu.memory_space<vmem_shared>> -> memref<632x128xbf16, #tpu.memory_space<vmem_shared>>
      tpu.enqueue_dma source(%arg4 : memref<632x128xbf16, #tpu.memory_space<hbm>>) target(%dma_start3A_48 : memref<632x128xbf16, #tpu.memory_space<vmem_shared>>) target_semaphore(%run_scoped3A_46 : memref<!tpu.dma_semaphore, #tpu.memory_space<semaphore_mem>>)
      %dma_wait3A = arith.constant 0 : i32
      %dma_wait3A_49 = tpu.memref_slice %arg17[%mul3A_3, %dma_wait3A] : memref<10112x128xbf16, #tpu.memory_space<vmem_shared>> -> memref<632x128xbf16, #tpu.memory_space<vmem_shared>>
      tpu.wait_dma2 semaphore(%run_scoped3A_46 : memref<!tpu.dma_semaphore, #tpu.memory_space<semaphore_mem>>) src(%arg4 : memref<632x128xbf16, #tpu.memory_space<hbm>>) dst(%dma_wait3A_49 : memref<632x128xbf16, #tpu.memory_space<vmem_shared>>)
      tpu.yield
    }) : () -> ()
    %mul3A_4 = arith.constant 632 : i32
    %mul3A_5 = arith.muli %arg1, %mul3A_4 : i32
    "tpu.region"() ({
      %run_scoped3A_46 = tpu.sem_alloc : memref<!tpu.dma_semaphore, #tpu.memory_space<semaphore_mem>>
      %dma_start3A_47 = arith.constant 0 : i32
      %dma_start3A_48 = tpu.memref_slice %arg18[%mul3A_5, %dma_start3A_47] : memref<10112x16xf32, #tpu.memory_space<vmem_shared>> -> memref<632x16xf32, #tpu.memory_space<vmem_shared>>
      tpu.enqueue_dma source(%arg5 : memref<632x16xf32, #tpu.memory_space<hbm>>) target(%dma_start3A_48 : memref<632x16xf32, #tpu.memory_space<vmem_shared>>) target_semaphore(%run_scoped3A_46 : memref<!tpu.dma_semaphore, #tpu.memory_space<semaphore_mem>>)
      %dma_wait3A = arith.constant 0 : i32
      %dma_wait3A_49 = tpu.memref_slice %arg18[%mul3A_5, %dma_wait3A] : memref<10112x16xf32, #tpu.memory_space<vmem_shared>> -> memref<632x16xf32, #tpu.memory_space<vmem_shared>>
      tpu.wait_dma2 semaphore(%run_scoped3A_46 : memref<!tpu.dma_semaphore, #tpu.memory_space<semaphore_mem>>) src(%arg5 : memref<632x16xf32, #tpu.memory_space<hbm>>) dst(%dma_wait3A_49 : memref<632x16xf32, #tpu.memory_space<vmem_shared>>)
      tpu.yield
    }) : () -> ()
    %barrier3A = arith.constant 0 : index
    tpu.barrier barrier_id(%barrier3A)
    %dma_start3A = arith.constant 0 : i32
    %dma_start3A_6 = arith.constant 0 : i32
    %dma_start3A_7 = tpu.memref_slice %arg9[%dma_start3A, %dma_start3A_6] : memref<80x125xi32, #tpu.memory_space<vmem>> -> memref<1x125xi32, #tpu.memory_space<vmem>>
    %dma_start3A_8 = tpu.memref_squeeze %dma_start3A_7 : memref<1x125xi32, #tpu.memory_space<vmem>> -> memref<125xi32, #tpu.memory_space<vmem>>
    %dma_start3A_9 = arith.constant 0 : i32
    %dma_start3A_10 = arith.constant 0 : i32
    %dma_start3A_11 = tpu.memref_slice %arg3[%dma_start3A_9, %dma_start3A_10] : memref<10000x128xbf16, #tpu.memory_space<hbm>> -> memref<10000x128xbf16, #tpu.memory_space<hbm>>
    tpu.enqueue_indirect_dma source(%dma_start3A_11 : memref<10000x128xbf16, #tpu.memory_space<hbm>>) target(%arg11 : memref<125x128xbf16, #tpu.memory_space<vmem>>) offsets(%dma_start3A_8 : memref<125xi32, #tpu.memory_space<vmem>>) semaphore(%arg19 : memref<!tpu.dma_semaphore, #tpu.memory_space<semaphore_mem>>)
    %dma_start3A_12 = arith.constant 1 : i32
    %dma_start3A_13 = arith.constant 0 : i32
    %dma_start3A_14 = tpu.memref_slice %arg9[%dma_start3A_12, %dma_start3A_13] : memref<80x125xi32, #tpu.memory_space<vmem>> -> memref<1x125xi32, #tpu.memory_space<vmem>>
    %dma_start3A_15 = tpu.memref_squeeze %dma_start3A_14 : memref<1x125xi32, #tpu.memory_space<vmem>> -> memref<125xi32, #tpu.memory_space<vmem>>
    %dma_start3A_16 = arith.constant 0 : i32
    %dma_start3A_17 = arith.constant 0 : i32
    %dma_start3A_18 = tpu.memref_slice %arg3[%dma_start3A_16, %dma_start3A_17] : memref<10000x128xbf16, #tpu.memory_space<hbm>> -> memref<10000x128xbf16, #tpu.memory_space<hbm>>
    tpu.enqueue_indirect_dma source(%dma_start3A_18 : memref<10000x128xbf16, #tpu.memory_space<hbm>>) target(%arg12 : memref<125x128xbf16, #tpu.memory_space<vmem>>) offsets(%dma_start3A_15 : memref<125xi32, #tpu.memory_space<vmem>>) semaphore(%arg20 : memref<!tpu.dma_semaphore, #tpu.memory_space<semaphore_mem>>)
    %dma_start3A_19 = arith.constant 2 : i32
    %dma_start3A_20 = arith.constant 0 : i32
    %dma_start3A_21 = tpu.memref_slice %arg9[%dma_start3A_19, %dma_start3A_20] : memref<80x125xi32, #tpu.memory_space<vmem>> -> memref<1x125xi32, #tpu.memory_space<vmem>>
    %dma_start3A_22 = tpu.memref_squeeze %dma_start3A_21 : memref<1x125xi32, #tpu.memory_space<vmem>> -> memref<125xi32, #tpu.memory_space<vmem>>
    %dma_start3A_23 = arith.constant 0 : i32
    %dma_start3A_24 = arith.constant 0 : i32
    %dma_start3A_25 = tpu.memref_slice %arg3[%dma_start3A_23, %dma_start3A_24] : memref<10000x128xbf16, #tpu.memory_space<hbm>> -> memref<10000x128xbf16, #tpu.memory_space<hbm>>
    tpu.enqueue_indirect_dma source(%dma_start3A_25 : memref<10000x128xbf16, #tpu.memory_space<hbm>>) target(%arg13 : memref<125x128xbf16, #tpu.memory_space<vmem>>) offsets(%dma_start3A_22 : memref<125xi32, #tpu.memory_space<vmem>>) semaphore(%arg21 : memref<!tpu.dma_semaphore, #tpu.memory_space<semaphore_mem>>)
    %dma_start3A_26 = arith.constant 3 : i32
    %dma_start3A_27 = arith.constant 0 : i32
    %dma_start3A_28 = tpu.memref_slice %arg9[%dma_start3A_26, %dma_start3A_27] : memref<80x125xi32, #tpu.memory_space<vmem>> -> memref<1x125xi32, #tpu.memory_space<vmem>>
    %dma_start3A_29 = tpu.memref_squeeze %dma_start3A_28 : memref<1x125xi32, #tpu.memory_space<vmem>> -> memref<125xi32, #tpu.memory_space<vmem>>
    %dma_start3A_30 = arith.constant 0 : i32
    %dma_start3A_31 = arith.constant 0 : i32
    %dma_start3A_32 = tpu.memref_slice %arg3[%dma_start3A_30, %dma_start3A_31] : memref<10000x128xbf16, #tpu.memory_space<hbm>> -> memref<10000x128xbf16, #tpu.memory_space<hbm>>
    tpu.enqueue_indirect_dma source(%dma_start3A_32 : memref<10000x128xbf16, #tpu.memory_space<hbm>>) target(%arg14 : memref<125x128xbf16, #tpu.memory_space<vmem>>) offsets(%dma_start3A_29 : memref<125xi32, #tpu.memory_space<vmem>>) semaphore(%arg22 : memref<!tpu.dma_semaphore, #tpu.memory_space<semaphore_mem>>)
    %scan3A = arith.constant 0 : i32
    %scan3A_33 = arith.constant 16 : i32
    %scan3A_34 = arith.addi %scan3A, %scan3A_33 : i32
    %scan3A_35 = arith.constant 1 : i32
    scf.for %scan3A_46 = %scan3A to %scan3A_34 step %scan3A_35  : i32 {
      %mul3A_47 = arith.constant 5 : i32
      %mul3A_48 = arith.muli %scan3A_46, %mul3A_47 : i32
      %add3A_49 = arith.constant 0 : i32
      %add3A_50 = arith.addi %add3A_49, %mul3A_48 : i32
      %add3A_51 = arith.constant 0 : i32
      %add3A_52 = arith.addi %add3A_50, %add3A_51 : i32
      %dma_wait3A = arith.constant 0 : i32
      %dma_wait3A_53 = tpu.memref_slice %arg9[%add3A_52, %dma_wait3A] : memref<80x125xi32, #tpu.memory_space<vmem>> -> memref<1x125xi32, #tpu.memory_space<vmem>>
      %dma_wait3A_54 = tpu.memref_squeeze %dma_wait3A_53 : memref<1x125xi32, #tpu.memory_space<vmem>> -> memref<125xi32, #tpu.memory_space<vmem>>
      %dma_wait3A_55 = arith.constant 0 : i32
      %dma_wait3A_56 = arith.constant 0 : i32
      %dma_wait3A_57 = tpu.memref_slice %arg3[%dma_wait3A_55, %dma_wait3A_56] : memref<10000x128xbf16, #tpu.memory_space<hbm>> -> memref<10000x128xbf16, #tpu.memory_space<hbm>>
      tpu.wait_indirect_dma semaphore(%arg19 : memref<!tpu.dma_semaphore, #tpu.memory_space<semaphore_mem>>) src(%dma_wait3A_57 : memref<10000x128xbf16, #tpu.memory_space<hbm>>) dst(%arg11 : memref<125x128xbf16, #tpu.memory_space<vmem>>)
      "tpu.region"() ({
        %run_scoped3A_122 = tpu.sem_alloc : memref<!tpu.dma_semaphore, #tpu.memory_space<semaphore_mem>>
        %dma_start3A_123 = arith.constant 0 : i32
        %dma_start3A_124 = tpu.memref_slice %arg10[%add3A_52, %dma_start3A_123] : memref<80x125xi32, #tpu.memory_space<vmem>> -> memref<1x125xi32, #tpu.memory_space<vmem>>
        %dma_start3A_125 = tpu.memref_squeeze %dma_start3A_124 : memref<1x125xi32, #tpu.memory_space<vmem>> -> memref<125xi32, #tpu.memory_space<vmem>>
        %dma_start3A_126 = arith.constant 0 : i32
        %dma_start3A_127 = arith.constant 0 : i32
        %dma_start3A_128 = tpu.memref_slice %arg17[%dma_start3A_126, %dma_start3A_127] : memref<10112x128xbf16, #tpu.memory_space<vmem_shared>> -> memref<10112x128xbf16, #tpu.memory_space<vmem_shared>>
        tpu.enqueue_indirect_dma source(%arg11 : memref<125x128xbf16, #tpu.memory_space<vmem>>) target(%dma_start3A_128 : memref<10112x128xbf16, #tpu.memory_space<vmem_shared>>) offsets(%dma_start3A_125 : memref<125xi32, #tpu.memory_space<vmem>>) semaphore(%run_scoped3A_122 : memref<!tpu.dma_semaphore, #tpu.memory_space<semaphore_mem>>) {add = true}
        %dma_wait3A_129 = arith.constant 0 : i32
        %dma_wait3A_130 = tpu.memref_slice %arg10[%add3A_52, %dma_wait3A_129] : memref<80x125xi32, #tpu.memory_space<vmem>> -> memref<1x125xi32, #tpu.memory_space<vmem>>
        %dma_wait3A_131 = tpu.memref_squeeze %dma_wait3A_130 : memref<1x125xi32, #tpu.memory_space<vmem>> -> memref<125xi32, #tpu.memory_space<vmem>>
        %dma_wait3A_132 = arith.constant 0 : i32
        %dma_wait3A_133 = arith.constant 0 : i32
        %dma_wait3A_134 = tpu.memref_slice %arg17[%dma_wait3A_132, %dma_wait3A_133] : memref<10112x128xbf16, #tpu.memory_space<vmem_shared>> -> memref<10112x128xbf16, #tpu.memory_space<vmem_shared>>
        tpu.wait_indirect_dma semaphore(%run_scoped3A_122 : memref<!tpu.dma_semaphore, #tpu.memory_space<semaphore_mem>>) src(%arg11 : memref<125x128xbf16, #tpu.memory_space<vmem>>) dst(%dma_wait3A_134 : memref<10112x128xbf16, #tpu.memory_space<vmem_shared>>)
        tpu.yield
      }) : () -> ()
      "tpu.region"() ({
        %run_scoped3A_122 = tpu.sem_alloc : memref<!tpu.dma_semaphore, #tpu.memory_space<semaphore_mem>>
        %dma_start3A_123 = arith.constant 0 : i32
        %dma_start3A_124 = tpu.memref_slice %arg10[%add3A_52, %dma_start3A_123] : memref<80x125xi32, #tpu.memory_space<vmem>> -> memref<1x125xi32, #tpu.memory_space<vmem>>
        %dma_start3A_125 = tpu.memref_squeeze %dma_start3A_124 : memref<1x125xi32, #tpu.memory_space<vmem>> -> memref<125xi32, #tpu.memory_space<vmem>>
        %dma_start3A_126 = arith.constant 0 : i32
        %dma_start3A_127 = arith.constant 0 : i32
        %dma_start3A_128 = tpu.memref_slice %arg18[%dma_start3A_126, %dma_start3A_127] : memref<10112x16xf32, #tpu.memory_space<vmem_shared>> -> memref<10112x16xf32, #tpu.memory_space<vmem_shared>>
        tpu.enqueue_indirect_dma source(%arg16 : memref<125x16xf32, #tpu.memory_space<vmem>>) target(%dma_start3A_128 : memref<10112x16xf32, #tpu.memory_space<vmem_shared>>) offsets(%dma_start3A_125 : memref<125xi32, #tpu.memory_space<vmem>>) semaphore(%run_scoped3A_122 : memref<!tpu.dma_semaphore, #tpu.memory_space<semaphore_mem>>) {add = true}
        %dma_wait3A_129 = arith.constant 0 : i32
        %dma_wait3A_130 = tpu.memref_slice %arg10[%add3A_52, %dma_wait3A_129] : memref<80x125xi32, #tpu.memory_space<vmem>> -> memref<1x125xi32, #tpu.memory_space<vmem>>
        %dma_wait3A_131 = tpu.memref_squeeze %dma_wait3A_130 : memref<1x125xi32, #tpu.memory_space<vmem>> -> memref<125xi32, #tpu.memory_space<vmem>>
        %dma_wait3A_132 = arith.constant 0 : i32
        %dma_wait3A_133 = arith.constant 0 : i32
        %dma_wait3A_134 = tpu.memref_slice %arg18[%dma_wait3A_132, %dma_wait3A_133] : memref<10112x16xf32, #tpu.memory_space<vmem_shared>> -> memref<10112x16xf32, #tpu.memory_space<vmem_shared>>
        tpu.wait_indirect_dma semaphore(%run_scoped3A_122 : memref<!tpu.dma_semaphore, #tpu.memory_space<semaphore_mem>>) src(%arg16 : memref<125x16xf32, #tpu.memory_space<vmem>>) dst(%dma_wait3A_134 : memref<10112x16xf32, #tpu.memory_space<vmem_shared>>)
        tpu.yield
      }) : () -> ()
      %add3A_58 = arith.constant 4 : i32
      %add3A_59 = arith.addi %add3A_52, %add3A_58 : i32
      %lt3A = arith.constant 80 : i32
      %lt3A_60 = arith.cmpi slt, %add3A_59, %lt3A : i32
      %convert_element_type3A = arith.extui %lt3A_60 : i1 to i32
      %cond3A = arith.constant 0 : i32
      %cond3A_61 = arith.cmpi ne, %convert_element_type3A, %cond3A : i32
      scf.if %cond3A_61 {
        %add3A_122 = arith.constant 4 : i32
        %add3A_123 = arith.addi %add3A_52, %add3A_122 : i32
        %dma_start3A_124 = arith.constant 0 : i32
        %dma_start3A_125 = tpu.memref_slice %arg9[%add3A_123, %dma_start3A_124] : memref<80x125xi32, #tpu.memory_space<vmem>> -> memref<1x125xi32, #tpu.memory_space<vmem>>
        %dma_start3A_126 = tpu.memref_squeeze %dma_start3A_125 : memref<1x125xi32, #tpu.memory_space<vmem>> -> memref<125xi32, #tpu.memory_space<vmem>>
        %dma_start3A_127 = arith.constant 0 : i32
        %dma_start3A_128 = arith.constant 0 : i32
        %dma_start3A_129 = tpu.memref_slice %arg3[%dma_start3A_127, %dma_start3A_128] : memref<10000x128xbf16, #tpu.memory_space<hbm>> -> memref<10000x128xbf16, #tpu.memory_space<hbm>>
        tpu.enqueue_indirect_dma source(%dma_start3A_129 : memref<10000x128xbf16, #tpu.memory_space<hbm>>) target(%arg15 : memref<125x128xbf16, #tpu.memory_space<vmem>>) offsets(%dma_start3A_126 : memref<125xi32, #tpu.memory_space<vmem>>) semaphore(%arg23 : memref<!tpu.dma_semaphore, #tpu.memory_space<semaphore_mem>>)
      } else {
      }
      %add3A_62 = arith.constant 1 : i32
      %add3A_63 = arith.addi %add3A_50, %add3A_62 : i32
      %dma_wait3A_64 = arith.constant 0 : i32
      %dma_wait3A_65 = tpu.memref_slice %arg9[%add3A_63, %dma_wait3A_64] : memref<80x125xi32, #tpu.memory_space<vmem>> -> memref<1x125xi32, #tpu.memory_space<vmem>>
      %dma_wait3A_66 = tpu.memref_squeeze %dma_wait3A_65 : memref<1x125xi32, #tpu.memory_space<vmem>> -> memref<125xi32, #tpu.memory_space<vmem>>
      %dma_wait3A_67 = arith.constant 0 : i32
      %dma_wait3A_68 = arith.constant 0 : i32
      %dma_wait3A_69 = tpu.memref_slice %arg3[%dma_wait3A_67, %dma_wait3A_68] : memref<10000x128xbf16, #tpu.memory_space<hbm>> -> memref<10000x128xbf16, #tpu.memory_space<hbm>>
      tpu.wait_indirect_dma semaphore(%arg20 : memref<!tpu.dma_semaphore, #tpu.memory_space<semaphore_mem>>) src(%dma_wait3A_69 : memref<10000x128xbf16, #tpu.memory_space<hbm>>) dst(%arg12 : memref<125x128xbf16, #tpu.memory_space<vmem>>)
      "tpu.region"() ({
        %run_scoped3A_122 = tpu.sem_alloc : memref<!tpu.dma_semaphore, #tpu.memory_space<semaphore_mem>>
        %dma_start3A_123 = arith.constant 0 : i32
        %dma_start3A_124 = tpu.memref_slice %arg10[%add3A_63, %dma_start3A_123] : memref<80x125xi32, #tpu.memory_space<vmem>> -> memref<1x125xi32, #tpu.memory_space<vmem>>
        %dma_start3A_125 = tpu.memref_squeeze %dma_start3A_124 : memref<1x125xi32, #tpu.memory_space<vmem>> -> memref<125xi32, #tpu.memory_space<vmem>>
        %dma_start3A_126 = arith.constant 0 : i32
        %dma_start3A_127 = arith.constant 0 : i32
        %dma_start3A_128 = tpu.memref_slice %arg17[%dma_start3A_126, %dma_start3A_127] : memref<10112x128xbf16, #tpu.memory_space<vmem_shared>> -> memref<10112x128xbf16, #tpu.memory_space<vmem_shared>>
        tpu.enqueue_indirect_dma source(%arg12 : memref<125x128xbf16, #tpu.memory_space<vmem>>) target(%dma_start3A_128 : memref<10112x128xbf16, #tpu.memory_space<vmem_shared>>) offsets(%dma_start3A_125 : memref<125xi32, #tpu.memory_space<vmem>>) semaphore(%run_scoped3A_122 : memref<!tpu.dma_semaphore, #tpu.memory_space<semaphore_mem>>) {add = true}
        %dma_wait3A_129 = arith.constant 0 : i32
        %dma_wait3A_130 = tpu.memref_slice %arg10[%add3A_63, %dma_wait3A_129] : memref<80x125xi32, #tpu.memory_space<vmem>> -> memref<1x125xi32, #tpu.memory_space<vmem>>
        %dma_wait3A_131 = tpu.memref_squeeze %dma_wait3A_130 : memref<1x125xi32, #tpu.memory_space<vmem>> -> memref<125xi32, #tpu.memory_space<vmem>>
        %dma_wait3A_132 = arith.constant 0 : i32
        %dma_wait3A_133 = arith.constant 0 : i32
        %dma_wait3A_134 = tpu.memref_slice %arg17[%dma_wait3A_132, %dma_wait3A_133] : memref<10112x128xbf16, #tpu.memory_space<vmem_shared>> -> memref<10112x128xbf16, #tpu.memory_space<vmem_shared>>
        tpu.wait_indirect_dma semaphore(%run_scoped3A_122 : memref<!tpu.dma_semaphore, #tpu.memory_space<semaphore_mem>>) src(%arg12 : memref<125x128xbf16, #tpu.memory_space<vmem>>) dst(%dma_wait3A_134 : memref<10112x128xbf16, #tpu.memory_space<vmem_shared>>)
        tpu.yield
      }) : () -> ()
      "tpu.region"() ({
        %run_scoped3A_122 = tpu.sem_alloc : memref<!tpu.dma_semaphore, #tpu.memory_space<semaphore_mem>>
        %dma_start3A_123 = arith.constant 0 : i32
        %dma_start3A_124 = tpu.memref_slice %arg10[%add3A_63, %dma_start3A_123] : memref<80x125xi32, #tpu.memory_space<vmem>> -> memref<1x125xi32, #tpu.memory_space<vmem>>
        %dma_start3A_125 = tpu.memref_squeeze %dma_start3A_124 : memref<1x125xi32, #tpu.memory_space<vmem>> -> memref<125xi32, #tpu.memory_space<vmem>>
        %dma_start3A_126 = arith.constant 0 : i32
        %dma_start3A_127 = arith.constant 0 : i32
        %dma_start3A_128 = tpu.memref_slice %arg18[%dma_start3A_126, %dma_start3A_127] : memref<10112x16xf32, #tpu.memory_space<vmem_shared>> -> memref<10112x16xf32, #tpu.memory_space<vmem_shared>>
        tpu.enqueue_indirect_dma source(%arg16 : memref<125x16xf32, #tpu.memory_space<vmem>>) target(%dma_start3A_128 : memref<10112x16xf32, #tpu.memory_space<vmem_shared>>) offsets(%dma_start3A_125 : memref<125xi32, #tpu.memory_space<vmem>>) semaphore(%run_scoped3A_122 : memref<!tpu.dma_semaphore, #tpu.memory_space<semaphore_mem>>) {add = true}
        %dma_wait3A_129 = arith.constant 0 : i32
        %dma_wait3A_130 = tpu.memref_slice %arg10[%add3A_63, %dma_wait3A_129] : memref<80x125xi32, #tpu.memory_space<vmem>> -> memref<1x125xi32, #tpu.memory_space<vmem>>
        %dma_wait3A_131 = tpu.memref_squeeze %dma_wait3A_130 : memref<1x125xi32, #tpu.memory_space<vmem>> -> memref<125xi32, #tpu.memory_space<vmem>>
        %dma_wait3A_132 = arith.constant 0 : i32
        %dma_wait3A_133 = arith.constant 0 : i32
        %dma_wait3A_134 = tpu.memref_slice %arg18[%dma_wait3A_132, %dma_wait3A_133] : memref<10112x16xf32, #tpu.memory_space<vmem_shared>> -> memref<10112x16xf32, #tpu.memory_space<vmem_shared>>
        tpu.wait_indirect_dma semaphore(%run_scoped3A_122 : memref<!tpu.dma_semaphore, #tpu.memory_space<semaphore_mem>>) src(%arg16 : memref<125x16xf32, #tpu.memory_space<vmem>>) dst(%dma_wait3A_134 : memref<10112x16xf32, #tpu.memory_space<vmem_shared>>)
        tpu.yield
      }) : () -> ()
      %add3A_70 = arith.constant 4 : i32
      %add3A_71 = arith.addi %add3A_63, %add3A_70 : i32
      %lt3A_72 = arith.constant 80 : i32
      %lt3A_73 = arith.cmpi slt, %add3A_71, %lt3A_72 : i32
      %convert_element_type3A_74 = arith.extui %lt3A_73 : i1 to i32
      %cond3A_75 = arith.constant 0 : i32
      %cond3A_76 = arith.cmpi ne, %convert_element_type3A_74, %cond3A_75 : i32
      scf.if %cond3A_76 {
        %add3A_122 = arith.constant 4 : i32
        %add3A_123 = arith.addi %add3A_63, %add3A_122 : i32
        %dma_start3A_124 = arith.constant 0 : i32
        %dma_start3A_125 = tpu.memref_slice %arg9[%add3A_123, %dma_start3A_124] : memref<80x125xi32, #tpu.memory_space<vmem>> -> memref<1x125xi32, #tpu.memory_space<vmem>>
        %dma_start3A_126 = tpu.memref_squeeze %dma_start3A_125 : memref<1x125xi32, #tpu.memory_space<vmem>> -> memref<125xi32, #tpu.memory_space<vmem>>
        %dma_start3A_127 = arith.constant 0 : i32
        %dma_start3A_128 = arith.constant 0 : i32
        %dma_start3A_129 = tpu.memref_slice %arg3[%dma_start3A_127, %dma_start3A_128] : memref<10000x128xbf16, #tpu.memory_space<hbm>> -> memref<10000x128xbf16, #tpu.memory_space<hbm>>
        tpu.enqueue_indirect_dma source(%dma_start3A_129 : memref<10000x128xbf16, #tpu.memory_space<hbm>>) target(%arg11 : memref<125x128xbf16, #tpu.memory_space<vmem>>) offsets(%dma_start3A_126 : memref<125xi32, #tpu.memory_space<vmem>>) semaphore(%arg19 : memref<!tpu.dma_semaphore, #tpu.memory_space<semaphore_mem>>)
      } else {
      }
      %add3A_77 = arith.constant 2 : i32
      %add3A_78 = arith.addi %add3A_50, %add3A_77 : i32
      %dma_wait3A_79 = arith.constant 0 : i32
      %dma_wait3A_80 = tpu.memref_slice %arg9[%add3A_78, %dma_wait3A_79] : memref<80x125xi32, #tpu.memory_space<vmem>> -> memref<1x125xi32, #tpu.memory_space<vmem>>
      %dma_wait3A_81 = tpu.memref_squeeze %dma_wait3A_80 : memref<1x125xi32, #tpu.memory_space<vmem>> -> memref<125xi32, #tpu.memory_space<vmem>>
      %dma_wait3A_82 = arith.constant 0 : i32
      %dma_wait3A_83 = arith.constant 0 : i32
      %dma_wait3A_84 = tpu.memref_slice %arg3[%dma_wait3A_82, %dma_wait3A_83] : memref<10000x128xbf16, #tpu.memory_space<hbm>> -> memref<10000x128xbf16, #tpu.memory_space<hbm>>
      tpu.wait_indirect_dma semaphore(%arg21 : memref<!tpu.dma_semaphore, #tpu.memory_space<semaphore_mem>>) src(%dma_wait3A_84 : memref<10000x128xbf16, #tpu.memory_space<hbm>>) dst(%arg13 : memref<125x128xbf16, #tpu.memory_space<vmem>>)
      "tpu.region"() ({
        %run_scoped3A_122 = tpu.sem_alloc : memref<!tpu.dma_semaphore, #tpu.memory_space<semaphore_mem>>
        %dma_start3A_123 = arith.constant 0 : i32
        %dma_start3A_124 = tpu.memref_slice %arg10[%add3A_78, %dma_start3A_123] : memref<80x125xi32, #tpu.memory_space<vmem>> -> memref<1x125xi32, #tpu.memory_space<vmem>>
        %dma_start3A_125 = tpu.memref_squeeze %dma_start3A_124 : memref<1x125xi32, #tpu.memory_space<vmem>> -> memref<125xi32, #tpu.memory_space<vmem>>
        %dma_start3A_126 = arith.constant 0 : i32
        %dma_start3A_127 = arith.constant 0 : i32
        %dma_start3A_128 = tpu.memref_slice %arg17[%dma_start3A_126, %dma_start3A_127] : memref<10112x128xbf16, #tpu.memory_space<vmem_shared>> -> memref<10112x128xbf16, #tpu.memory_space<vmem_shared>>
        tpu.enqueue_indirect_dma source(%arg13 : memref<125x128xbf16, #tpu.memory_space<vmem>>) target(%dma_start3A_128 : memref<10112x128xbf16, #tpu.memory_space<vmem_shared>>) offsets(%dma_start3A_125 : memref<125xi32, #tpu.memory_space<vmem>>) semaphore(%run_scoped3A_122 : memref<!tpu.dma_semaphore, #tpu.memory_space<semaphore_mem>>) {add = true}
        %dma_wait3A_129 = arith.constant 0 : i32
        %dma_wait3A_130 = tpu.memref_slice %arg10[%add3A_78, %dma_wait3A_129] : memref<80x125xi32, #tpu.memory_space<vmem>> -> memref<1x125xi32, #tpu.memory_space<vmem>>
        %dma_wait3A_131 = tpu.memref_squeeze %dma_wait3A_130 : memref<1x125xi32, #tpu.memory_space<vmem>> -> memref<125xi32, #tpu.memory_space<vmem>>
        %dma_wait3A_132 = arith.constant 0 : i32
        %dma_wait3A_133 = arith.constant 0 : i32
        %dma_wait3A_134 = tpu.memref_slice %arg17[%dma_wait3A_132, %dma_wait3A_133] : memref<10112x128xbf16, #tpu.memory_space<vmem_shared>> -> memref<10112x128xbf16, #tpu.memory_space<vmem_shared>>
        tpu.wait_indirect_dma semaphore(%run_scoped3A_122 : memref<!tpu.dma_semaphore, #tpu.memory_space<semaphore_mem>>) src(%arg13 : memref<125x128xbf16, #tpu.memory_space<vmem>>) dst(%dma_wait3A_134 : memref<10112x128xbf16, #tpu.memory_space<vmem_shared>>)
        tpu.yield
      }) : () -> ()
      "tpu.region"() ({
        %run_scoped3A_122 = tpu.sem_alloc : memref<!tpu.dma_semaphore, #tpu.memory_space<semaphore_mem>>
        %dma_start3A_123 = arith.constant 0 : i32
        %dma_start3A_124 = tpu.memref_slice %arg10[%add3A_78, %dma_start3A_123] : memref<80x125xi32, #tpu.memory_space<vmem>> -> memref<1x125xi32, #tpu.memory_space<vmem>>
        %dma_start3A_125 = tpu.memref_squeeze %dma_start3A_124 : memref<1x125xi32, #tpu.memory_space<vmem>> -> memref<125xi32, #tpu.memory_space<vmem>>
        %dma_start3A_126 = arith.constant 0 : i32
        %dma_start3A_127 = arith.constant 0 : i32
        %dma_start3A_128 = tpu.memref_slice %arg18[%dma_start3A_126, %dma_start3A_127] : memref<10112x16xf32, #tpu.memory_space<vmem_shared>> -> memref<10112x16xf32, #tpu.memory_space<vmem_shared>>
        tpu.enqueue_indirect_dma source(%arg16 : memref<125x16xf32, #tpu.memory_space<vmem>>) target(%dma_start3A_128 : memref<10112x16xf32, #tpu.memory_space<vmem_shared>>) offsets(%dma_start3A_125 : memref<125xi32, #tpu.memory_space<vmem>>) semaphore(%run_scoped3A_122 : memref<!tpu.dma_semaphore, #tpu.memory_space<semaphore_mem>>) {add = true}
        %dma_wait3A_129 = arith.constant 0 : i32
        %dma_wait3A_130 = tpu.memref_slice %arg10[%add3A_78, %dma_wait3A_129] : memref<80x125xi32, #tpu.memory_space<vmem>> -> memref<1x125xi32, #tpu.memory_space<vmem>>
        %dma_wait3A_131 = tpu.memref_squeeze %dma_wait3A_130 : memref<1x125xi32, #tpu.memory_space<vmem>> -> memref<125xi32, #tpu.memory_space<vmem>>
        %dma_wait3A_132 = arith.constant 0 : i32
        %dma_wait3A_133 = arith.constant 0 : i32
        %dma_wait3A_134 = tpu.memref_slice %arg18[%dma_wait3A_132, %dma_wait3A_133] : memref<10112x16xf32, #tpu.memory_space<vmem_shared>> -> memref<10112x16xf32, #tpu.memory_space<vmem_shared>>
        tpu.wait_indirect_dma semaphore(%run_scoped3A_122 : memref<!tpu.dma_semaphore, #tpu.memory_space<semaphore_mem>>) src(%arg16 : memref<125x16xf32, #tpu.memory_space<vmem>>) dst(%dma_wait3A_134 : memref<10112x16xf32, #tpu.memory_space<vmem_shared>>)
        tpu.yield
      }) : () -> ()
      %add3A_85 = arith.constant 4 : i32
      %add3A_86 = arith.addi %add3A_78, %add3A_85 : i32
      %lt3A_87 = arith.constant 80 : i32
      %lt3A_88 = arith.cmpi slt, %add3A_86, %lt3A_87 : i32
      %convert_element_type3A_89 = arith.extui %lt3A_88 : i1 to i32
      %cond3A_90 = arith.constant 0 : i32
      %cond3A_91 = arith.cmpi ne, %convert_element_type3A_89, %cond3A_90 : i32
      scf.if %cond3A_91 {
        %add3A_122 = arith.constant 4 : i32
        %add3A_123 = arith.addi %add3A_78, %add3A_122 : i32
        %dma_start3A_124 = arith.constant 0 : i32
        %dma_start3A_125 = tpu.memref_slice %arg9[%add3A_123, %dma_start3A_124] : memref<80x125xi32, #tpu.memory_space<vmem>> -> memref<1x125xi32, #tpu.memory_space<vmem>>
        %dma_start3A_126 = tpu.memref_squeeze %dma_start3A_125 : memref<1x125xi32, #tpu.memory_space<vmem>> -> memref<125xi32, #tpu.memory_space<vmem>>
        %dma_start3A_127 = arith.constant 0 : i32
        %dma_start3A_128 = arith.constant 0 : i32
        %dma_start3A_129 = tpu.memref_slice %arg3[%dma_start3A_127, %dma_start3A_128] : memref<10000x128xbf16, #tpu.memory_space<hbm>> -> memref<10000x128xbf16, #tpu.memory_space<hbm>>
        tpu.enqueue_indirect_dma source(%dma_start3A_129 : memref<10000x128xbf16, #tpu.memory_space<hbm>>) target(%arg12 : memref<125x128xbf16, #tpu.memory_space<vmem>>) offsets(%dma_start3A_126 : memref<125xi32, #tpu.memory_space<vmem>>) semaphore(%arg20 : memref<!tpu.dma_semaphore, #tpu.memory_space<semaphore_mem>>)
      } else {
      }
      %add3A_92 = arith.constant 3 : i32
      %add3A_93 = arith.addi %add3A_50, %add3A_92 : i32
      %dma_wait3A_94 = arith.constant 0 : i32
      %dma_wait3A_95 = tpu.memref_slice %arg9[%add3A_93, %dma_wait3A_94] : memref<80x125xi32, #tpu.memory_space<vmem>> -> memref<1x125xi32, #tpu.memory_space<vmem>>
      %dma_wait3A_96 = tpu.memref_squeeze %dma_wait3A_95 : memref<1x125xi32, #tpu.memory_space<vmem>> -> memref<125xi32, #tpu.memory_space<vmem>>
      %dma_wait3A_97 = arith.constant 0 : i32
      %dma_wait3A_98 = arith.constant 0 : i32
      %dma_wait3A_99 = tpu.memref_slice %arg3[%dma_wait3A_97, %dma_wait3A_98] : memref<10000x128xbf16, #tpu.memory_space<hbm>> -> memref<10000x128xbf16, #tpu.memory_space<hbm>>
      tpu.wait_indirect_dma semaphore(%arg22 : memref<!tpu.dma_semaphore, #tpu.memory_space<semaphore_mem>>) src(%dma_wait3A_99 : memref<10000x128xbf16, #tpu.memory_space<hbm>>) dst(%arg14 : memref<125x128xbf16, #tpu.memory_space<vmem>>)
      "tpu.region"() ({
        %run_scoped3A_122 = tpu.sem_alloc : memref<!tpu.dma_semaphore, #tpu.memory_space<semaphore_mem>>
        %dma_start3A_123 = arith.constant 0 : i32
        %dma_start3A_124 = tpu.memref_slice %arg10[%add3A_93, %dma_start3A_123] : memref<80x125xi32, #tpu.memory_space<vmem>> -> memref<1x125xi32, #tpu.memory_space<vmem>>
        %dma_start3A_125 = tpu.memref_squeeze %dma_start3A_124 : memref<1x125xi32, #tpu.memory_space<vmem>> -> memref<125xi32, #tpu.memory_space<vmem>>
        %dma_start3A_126 = arith.constant 0 : i32
        %dma_start3A_127 = arith.constant 0 : i32
        %dma_start3A_128 = tpu.memref_slice %arg17[%dma_start3A_126, %dma_start3A_127] : memref<10112x128xbf16, #tpu.memory_space<vmem_shared>> -> memref<10112x128xbf16, #tpu.memory_space<vmem_shared>>
        tpu.enqueue_indirect_dma source(%arg14 : memref<125x128xbf16, #tpu.memory_space<vmem>>) target(%dma_start3A_128 : memref<10112x128xbf16, #tpu.memory_space<vmem_shared>>) offsets(%dma_start3A_125 : memref<125xi32, #tpu.memory_space<vmem>>) semaphore(%run_scoped3A_122 : memref<!tpu.dma_semaphore, #tpu.memory_space<semaphore_mem>>) {add = true}
        %dma_wait3A_129 = arith.constant 0 : i32
        %dma_wait3A_130 = tpu.memref_slice %arg10[%add3A_93, %dma_wait3A_129] : memref<80x125xi32, #tpu.memory_space<vmem>> -> memref<1x125xi32, #tpu.memory_space<vmem>>
        %dma_wait3A_131 = tpu.memref_squeeze %dma_wait3A_130 : memref<1x125xi32, #tpu.memory_space<vmem>> -> memref<125xi32, #tpu.memory_space<vmem>>
        %dma_wait3A_132 = arith.constant 0 : i32
        %dma_wait3A_133 = arith.constant 0 : i32
        %dma_wait3A_134 = tpu.memref_slice %arg17[%dma_wait3A_132, %dma_wait3A_133] : memref<10112x128xbf16, #tpu.memory_space<vmem_shared>> -> memref<10112x128xbf16, #tpu.memory_space<vmem_shared>>
        tpu.wait_indirect_dma semaphore(%run_scoped3A_122 : memref<!tpu.dma_semaphore, #tpu.memory_space<semaphore_mem>>) src(%arg14 : memref<125x128xbf16, #tpu.memory_space<vmem>>) dst(%dma_wait3A_134 : memref<10112x128xbf16, #tpu.memory_space<vmem_shared>>)
        tpu.yield
      }) : () -> ()
      "tpu.region"() ({
        %run_scoped3A_122 = tpu.sem_alloc : memref<!tpu.dma_semaphore, #tpu.memory_space<semaphore_mem>>
        %dma_start3A_123 = arith.constant 0 : i32
        %dma_start3A_124 = tpu.memref_slice %arg10[%add3A_93, %dma_start3A_123] : memref<80x125xi32, #tpu.memory_space<vmem>> -> memref<1x125xi32, #tpu.memory_space<vmem>>
        %dma_start3A_125 = tpu.memref_squeeze %dma_start3A_124 : memref<1x125xi32, #tpu.memory_space<vmem>> -> memref<125xi32, #tpu.memory_space<vmem>>
        %dma_start3A_126 = arith.constant 0 : i32
        %dma_start3A_127 = arith.constant 0 : i32
        %dma_start3A_128 = tpu.memref_slice %arg18[%dma_start3A_126, %dma_start3A_127] : memref<10112x16xf32, #tpu.memory_space<vmem_shared>> -> memref<10112x16xf32, #tpu.memory_space<vmem_shared>>
        tpu.enqueue_indirect_dma source(%arg16 : memref<125x16xf32, #tpu.memory_space<vmem>>) target(%dma_start3A_128 : memref<10112x16xf32, #tpu.memory_space<vmem_shared>>) offsets(%dma_start3A_125 : memref<125xi32, #tpu.memory_space<vmem>>) semaphore(%run_scoped3A_122 : memref<!tpu.dma_semaphore, #tpu.memory_space<semaphore_mem>>) {add = true}
        %dma_wait3A_129 = arith.constant 0 : i32
        %dma_wait3A_130 = tpu.memref_slice %arg10[%add3A_93, %dma_wait3A_129] : memref<80x125xi32, #tpu.memory_space<vmem>> -> memref<1x125xi32, #tpu.memory_space<vmem>>
        %dma_wait3A_131 = tpu.memref_squeeze %dma_wait3A_130 : memref<1x125xi32, #tpu.memory_space<vmem>> -> memref<125xi32, #tpu.memory_space<vmem>>
        %dma_wait3A_132 = arith.constant 0 : i32
        %dma_wait3A_133 = arith.constant 0 : i32
        %dma_wait3A_134 = tpu.memref_slice %arg18[%dma_wait3A_132, %dma_wait3A_133] : memref<10112x16xf32, #tpu.memory_space<vmem_shared>> -> memref<10112x16xf32, #tpu.memory_space<vmem_shared>>
        tpu.wait_indirect_dma semaphore(%run_scoped3A_122 : memref<!tpu.dma_semaphore, #tpu.memory_space<semaphore_mem>>) src(%arg16 : memref<125x16xf32, #tpu.memory_space<vmem>>) dst(%dma_wait3A_134 : memref<10112x16xf32, #tpu.memory_space<vmem_shared>>)
        tpu.yield
      }) : () -> ()
      %add3A_100 = arith.constant 4 : i32
      %add3A_101 = arith.addi %add3A_93, %add3A_100 : i32
      %lt3A_102 = arith.constant 80 : i32
      %lt3A_103 = arith.cmpi slt, %add3A_101, %lt3A_102 : i32
      %convert_element_type3A_104 = arith.extui %lt3A_103 : i1 to i32
      %cond3A_105 = arith.constant 0 : i32
      %cond3A_106 = arith.cmpi ne, %convert_element_type3A_104, %cond3A_105 : i32
      scf.if %cond3A_106 {
        %add3A_122 = arith.constant 4 : i32
        %add3A_123 = arith.addi %add3A_93, %add3A_122 : i32
        %dma_start3A_124 = arith.constant 0 : i32
        %dma_start3A_125 = tpu.memref_slice %arg9[%add3A_123, %dma_start3A_124] : memref<80x125xi32, #tpu.memory_space<vmem>> -> memref<1x125xi32, #tpu.memory_space<vmem>>
        %dma_start3A_126 = tpu.memref_squeeze %dma_start3A_125 : memref<1x125xi32, #tpu.memory_space<vmem>> -> memref<125xi32, #tpu.memory_space<vmem>>
        %dma_start3A_127 = arith.constant 0 : i32
        %dma_start3A_128 = arith.constant 0 : i32
        %dma_start3A_129 = tpu.memref_slice %arg3[%dma_start3A_127, %dma_start3A_128] : memref<10000x128xbf16, #tpu.memory_space<hbm>> -> memref<10000x128xbf16, #tpu.memory_space<hbm>>
        tpu.enqueue_indirect_dma source(%dma_start3A_129 : memref<10000x128xbf16, #tpu.memory_space<hbm>>) target(%arg13 : memref<125x128xbf16, #tpu.memory_space<vmem>>) offsets(%dma_start3A_126 : memref<125xi32, #tpu.memory_space<vmem>>) semaphore(%arg21 : memref<!tpu.dma_semaphore, #tpu.memory_space<semaphore_mem>>)
      } else {
      }
      %add3A_107 = arith.constant 4 : i32
      %add3A_108 = arith.addi %add3A_50, %add3A_107 : i32
      %dma_wait3A_109 = arith.constant 0 : i32
      %dma_wait3A_110 = tpu.memref_slice %arg9[%add3A_108, %dma_wait3A_109] : memref<80x125xi32, #tpu.memory_space<vmem>> -> memref<1x125xi32, #tpu.memory_space<vmem>>
      %dma_wait3A_111 = tpu.memref_squeeze %dma_wait3A_110 : memref<1x125xi32, #tpu.memory_space<vmem>> -> memref<125xi32, #tpu.memory_space<vmem>>
      %dma_wait3A_112 = arith.constant 0 : i32
      %dma_wait3A_113 = arith.constant 0 : i32
      %dma_wait3A_114 = tpu.memref_slice %arg3[%dma_wait3A_112, %dma_wait3A_113] : memref<10000x128xbf16, #tpu.memory_space<hbm>> -> memref<10000x128xbf16, #tpu.memory_space<hbm>>
      tpu.wait_indirect_dma semaphore(%arg23 : memref<!tpu.dma_semaphore, #tpu.memory_space<semaphore_mem>>) src(%dma_wait3A_114 : memref<10000x128xbf16, #tpu.memory_space<hbm>>) dst(%arg15 : memref<125x128xbf16, #tpu.memory_space<vmem>>)
      "tpu.region"() ({
        %run_scoped3A_122 = tpu.sem_alloc : memref<!tpu.dma_semaphore, #tpu.memory_space<semaphore_mem>>
        %dma_start3A_123 = arith.constant 0 : i32
        %dma_start3A_124 = tpu.memref_slice %arg10[%add3A_108, %dma_start3A_123] : memref<80x125xi32, #tpu.memory_space<vmem>> -> memref<1x125xi32, #tpu.memory_space<vmem>>
        %dma_start3A_125 = tpu.memref_squeeze %dma_start3A_124 : memref<1x125xi32, #tpu.memory_space<vmem>> -> memref<125xi32, #tpu.memory_space<vmem>>
        %dma_start3A_126 = arith.constant 0 : i32
        %dma_start3A_127 = arith.constant 0 : i32
        %dma_start3A_128 = tpu.memref_slice %arg17[%dma_start3A_126, %dma_start3A_127] : memref<10112x128xbf16, #tpu.memory_space<vmem_shared>> -> memref<10112x128xbf16, #tpu.memory_space<vmem_shared>>
        tpu.enqueue_indirect_dma source(%arg15 : memref<125x128xbf16, #tpu.memory_space<vmem>>) target(%dma_start3A_128 : memref<10112x128xbf16, #tpu.memory_space<vmem_shared>>) offsets(%dma_start3A_125 : memref<125xi32, #tpu.memory_space<vmem>>) semaphore(%run_scoped3A_122 : memref<!tpu.dma_semaphore, #tpu.memory_space<semaphore_mem>>) {add = true}
        %dma_wait3A_129 = arith.constant 0 : i32
        %dma_wait3A_130 = tpu.memref_slice %arg10[%add3A_108, %dma_wait3A_129] : memref<80x125xi32, #tpu.memory_space<vmem>> -> memref<1x125xi32, #tpu.memory_space<vmem>>
        %dma_wait3A_131 = tpu.memref_squeeze %dma_wait3A_130 : memref<1x125xi32, #tpu.memory_space<vmem>> -> memref<125xi32, #tpu.memory_space<vmem>>
        %dma_wait3A_132 = arith.constant 0 : i32
        %dma_wait3A_133 = arith.constant 0 : i32
        %dma_wait3A_134 = tpu.memref_slice %arg17[%dma_wait3A_132, %dma_wait3A_133] : memref<10112x128xbf16, #tpu.memory_space<vmem_shared>> -> memref<10112x128xbf16, #tpu.memory_space<vmem_shared>>
        tpu.wait_indirect_dma semaphore(%run_scoped3A_122 : memref<!tpu.dma_semaphore, #tpu.memory_space<semaphore_mem>>) src(%arg15 : memref<125x128xbf16, #tpu.memory_space<vmem>>) dst(%dma_wait3A_134 : memref<10112x128xbf16, #tpu.memory_space<vmem_shared>>)
        tpu.yield
      }) : () -> ()
      "tpu.region"() ({
        %run_scoped3A_122 = tpu.sem_alloc : memref<!tpu.dma_semaphore, #tpu.memory_space<semaphore_mem>>
        %dma_start3A_123 = arith.constant 0 : i32
        %dma_start3A_124 = tpu.memref_slice %arg10[%add3A_108, %dma_start3A_123] : memref<80x125xi32, #tpu.memory_space<vmem>> -> memref<1x125xi32, #tpu.memory_space<vmem>>
        %dma_start3A_125 = tpu.memref_squeeze %dma_start3A_124 : memref<1x125xi32, #tpu.memory_space<vmem>> -> memref<125xi32, #tpu.memory_space<vmem>>
        %dma_start3A_126 = arith.constant 0 : i32
        %dma_start3A_127 = arith.constant 0 : i32
        %dma_start3A_128 = tpu.memref_slice %arg18[%dma_start3A_126, %dma_start3A_127] : memref<10112x16xf32, #tpu.memory_space<vmem_shared>> -> memref<10112x16xf32, #tpu.memory_space<vmem_shared>>
        tpu.enqueue_indirect_dma source(%arg16 : memref<125x16xf32, #tpu.memory_space<vmem>>) target(%dma_start3A_128 : memref<10112x16xf32, #tpu.memory_space<vmem_shared>>) offsets(%dma_start3A_125 : memref<125xi32, #tpu.memory_space<vmem>>) semaphore(%run_scoped3A_122 : memref<!tpu.dma_semaphore, #tpu.memory_space<semaphore_mem>>) {add = true}
        %dma_wait3A_129 = arith.constant 0 : i32
        %dma_wait3A_130 = tpu.memref_slice %arg10[%add3A_108, %dma_wait3A_129] : memref<80x125xi32, #tpu.memory_space<vmem>> -> memref<1x125xi32, #tpu.memory_space<vmem>>
        %dma_wait3A_131 = tpu.memref_squeeze %dma_wait3A_130 : memref<1x125xi32, #tpu.memory_space<vmem>> -> memref<125xi32, #tpu.memory_space<vmem>>
        %dma_wait3A_132 = arith.constant 0 : i32
        %dma_wait3A_133 = arith.constant 0 : i32
        %dma_wait3A_134 = tpu.memref_slice %arg18[%dma_wait3A_132, %dma_wait3A_133] : memref<10112x16xf32, #tpu.memory_space<vmem_shared>> -> memref<10112x16xf32, #tpu.memory_space<vmem_shared>>
        tpu.wait_indirect_dma semaphore(%run_scoped3A_122 : memref<!tpu.dma_semaphore, #tpu.memory_space<semaphore_mem>>) src(%arg16 : memref<125x16xf32, #tpu.memory_space<vmem>>) dst(%dma_wait3A_134 : memref<10112x16xf32, #tpu.memory_space<vmem_shared>>)
        tpu.yield
      }) : () -> ()
      %add3A_115 = arith.constant 4 : i32
      %add3A_116 = arith.addi %add3A_108, %add3A_115 : i32
      %lt3A_117 = arith.constant 80 : i32
      %lt3A_118 = arith.cmpi slt, %add3A_116, %lt3A_117 : i32
      %convert_element_type3A_119 = arith.extui %lt3A_118 : i1 to i32
      %cond3A_120 = arith.constant 0 : i32
      %cond3A_121 = arith.cmpi ne, %convert_element_type3A_119, %cond3A_120 : i32
      scf.if %cond3A_121 {
        %add3A_122 = arith.constant 4 : i32
        %add3A_123 = arith.addi %add3A_108, %add3A_122 : i32
        %dma_start3A_124 = arith.constant 0 : i32
        %dma_start3A_125 = tpu.memref_slice %arg9[%add3A_123, %dma_start3A_124] : memref<80x125xi32, #tpu.memory_space<vmem>> -> memref<1x125xi32, #tpu.memory_space<vmem>>
        %dma_start3A_126 = tpu.memref_squeeze %dma_start3A_125 : memref<1x125xi32, #tpu.memory_space<vmem>> -> memref<125xi32, #tpu.memory_space<vmem>>
        %dma_start3A_127 = arith.constant 0 : i32
        %dma_start3A_128 = arith.constant 0 : i32
        %dma_start3A_129 = tpu.memref_slice %arg3[%dma_start3A_127, %dma_start3A_128] : memref<10000x128xbf16, #tpu.memory_space<hbm>> -> memref<10000x128xbf16, #tpu.memory_space<hbm>>
        tpu.enqueue_indirect_dma source(%dma_start3A_129 : memref<10000x128xbf16, #tpu.memory_space<hbm>>) target(%arg14 : memref<125x128xbf16, #tpu.memory_space<vmem>>) offsets(%dma_start3A_126 : memref<125xi32, #tpu.memory_space<vmem>>) semaphore(%arg22 : memref<!tpu.dma_semaphore, #tpu.memory_space<semaphore_mem>>)
      } else {
      }
    }
    %scan3A_36 = arith.constant 16 : i32
    %barrier3A_37 = arith.constant 0 : index
    tpu.barrier barrier_id(%barrier3A_37)
    %mul3A_38 = arith.constant 632 : i32
    %mul3A_39 = arith.muli %arg1, %mul3A_38 : i32
    %mul3A_40 = arith.constant 632 : i32
    %mul3A_41 = arith.muli %arg1, %mul3A_40 : i32
    "tpu.region"() ({
      %run_scoped3A_46 = tpu.sem_alloc : memref<!tpu.dma_semaphore, #tpu.memory_space<semaphore_mem>>
      %dma_start3A_47 = arith.constant 0 : i32
      %dma_start3A_48 = tpu.memref_slice %arg7[%arg0, %mul3A_41, %dma_start3A_47] : memref<2x10112x128xbf16, #tpu.memory_space<hbm>> -> memref<1x632x128xbf16, #tpu.memory_space<hbm>>
      %dma_start3A_49 = tpu.memref_squeeze %dma_start3A_48 : memref<1x632x128xbf16, #tpu.memory_space<hbm>> -> memref<632x128xbf16, #tpu.memory_space<hbm>>
      %dma_start3A_50 = arith.constant 0 : i32
      %dma_start3A_51 = tpu.memref_slice %arg17[%mul3A_39, %dma_start3A_50] : memref<10112x128xbf16, #tpu.memory_space<vmem_shared>> -> memref<632x128xbf16, #tpu.memory_space<vmem_shared>>
      tpu.enqueue_dma source(%dma_start3A_51 : memref<632x128xbf16, #tpu.memory_space<vmem_shared>>) target(%dma_start3A_49 : memref<632x128xbf16, #tpu.memory_space<hbm>>) target_semaphore(%run_scoped3A_46 : memref<!tpu.dma_semaphore, #tpu.memory_space<semaphore_mem>>)
      %dma_wait3A = arith.constant 0 : i32
      %dma_wait3A_52 = tpu.memref_slice %arg7[%arg0, %mul3A_41, %dma_wait3A] : memref<2x10112x128xbf16, #tpu.memory_space<hbm>> -> memref<1x632x128xbf16, #tpu.memory_space<hbm>>
      %dma_wait3A_53 = tpu.memref_squeeze %dma_wait3A_52 : memref<1x632x128xbf16, #tpu.memory_space<hbm>> -> memref<632x128xbf16, #tpu.memory_space<hbm>>
      %dma_wait3A_54 = arith.constant 0 : i32
      %dma_wait3A_55 = tpu.memref_slice %arg17[%mul3A_39, %dma_wait3A_54] : memref<10112x128xbf16, #tpu.memory_space<vmem_shared>> -> memref<632x128xbf16, #tpu.memory_space<vmem_shared>>
      tpu.wait_dma2 semaphore(%run_scoped3A_46 : memref<!tpu.dma_semaphore, #tpu.memory_space<semaphore_mem>>) src(%dma_wait3A_55 : memref<632x128xbf16, #tpu.memory_space<vmem_shared>>) dst(%dma_wait3A_53 : memref<632x128xbf16, #tpu.memory_space<hbm>>)
      tpu.yield
    }) : () -> ()
    %mul3A_42 = arith.constant 632 : i32
    %mul3A_43 = arith.muli %arg1, %mul3A_42 : i32
    %mul3A_44 = arith.constant 632 : i32
    %mul3A_45 = arith.muli %arg1, %mul3A_44 : i32
    "tpu.region"() ({
      %run_scoped3A_46 = tpu.sem_alloc : memref<!tpu.dma_semaphore, #tpu.memory_space<semaphore_mem>>
      %dma_start3A_47 = arith.constant 0 : i32
      %dma_start3A_48 = tpu.memref_slice %arg8[%arg0, %mul3A_45, %dma_start3A_47] : memref<2x10112x16xf32, #tpu.memory_space<hbm>> -> memref<1x632x16xf32, #tpu.memory_space<hbm>>
      %dma_start3A_49 = tpu.memref_squeeze %dma_start3A_48 : memref<1x632x16xf32, #tpu.memory_space<hbm>> -> memref<632x16xf32, #tpu.memory_space<hbm>>
      %dma_start3A_50 = arith.constant 0 : i32
      %dma_start3A_51 = tpu.memref_slice %arg18[%mul3A_43, %dma_start3A_50] : memref<10112x16xf32, #tpu.memory_space<vmem_shared>> -> memref<632x16xf32, #tpu.memory_space<vmem_shared>>
      tpu.enqueue_dma source(%dma_start3A_51 : memref<632x16xf32, #tpu.memory_space<vmem_shared>>) target(%dma_start3A_49 : memref<632x16xf32, #tpu.memory_space<hbm>>) target_semaphore(%run_scoped3A_46 : memref<!tpu.dma_semaphore, #tpu.memory_space<semaphore_mem>>)
      %dma_wait3A = arith.constant 0 : i32
      %dma_wait3A_52 = tpu.memref_slice %arg8[%arg0, %mul3A_45, %dma_wait3A] : memref<2x10112x16xf32, #tpu.memory_space<hbm>> -> memref<1x632x16xf32, #tpu.memory_space<hbm>>
      %dma_wait3A_53 = tpu.memref_squeeze %dma_wait3A_52 : memref<1x632x16xf32, #tpu.memory_space<hbm>> -> memref<632x16xf32, #tpu.memory_space<hbm>>
      %dma_wait3A_54 = arith.constant 0 : i32
      %dma_wait3A_55 = tpu.memref_slice %arg18[%mul3A_43, %dma_wait3A_54] : memref<10112x16xf32, #tpu.memory_space<vmem_shared>> -> memref<632x16xf32, #tpu.memory_space<vmem_shared>>
      tpu.wait_dma2 semaphore(%run_scoped3A_46 : memref<!tpu.dma_semaphore, #tpu.memory_space<semaphore_mem>>) src(%dma_wait3A_55 : memref<632x16xf32, #tpu.memory_space<vmem_shared>>) dst(%dma_wait3A_53 : memref<632x16xf32, #tpu.memory_space<hbm>>)
      tpu.yield
    }) : () -> ()
    return
  }
}

module attributes {stable_mosaic.version = 14 : i64} {
  func.func @_tc_combine_body(%arg0: i32, %arg1: memref<1000x128xf32, #tpu.memory_space<vmem>>, %arg2: memref<2x1000x128xbf16, #tpu.memory_space<vmem>>, %arg3: memref<2x1000x16xf32, #tpu.memory_space<vmem>>, %arg4: memref<128x128xf32, #tpu.memory_space<vmem>>, %arg5: memref<128x128xf32, #tpu.memory_space<vmem>>, %arg6: memref<1x128xf32, #tpu.memory_space<vmem>>, %arg7: memref<1000x128xf32, #tpu.memory_space<vmem>>) attributes {dimension_semantics = [#tpu.dimension_semantics<arbitrary>], iteration_bounds = array<i64: 10>, scalar_prefetch = 0 : i64, scratch_operands = 0 : i64, tpu.core_type = #tpu.core_type<tc>, window_params = [{transform_indices = @transform_0, window_bounds = array<i64: 1000, 128>}, {transform_indices = @transform_1, window_bounds = array<i64: 2, 1000, 128>}, {transform_indices = @transform_2, window_bounds = array<i64: 2, 1000, 16>}, {pipeline_mode = #tpu.pipeline_mode<synchronous>, transform_indices = @transform_3, window_bounds = array<i64: 128, 128>}, {pipeline_mode = #tpu.pipeline_mode<synchronous>, transform_indices = @transform_4, window_bounds = array<i64: 128, 128>}, {pipeline_mode = #tpu.pipeline_mode<synchronous>, transform_indices = @transform_5, window_bounds = array<i64: 1, 128>}, {transform_indices = @transform_6, window_bounds = array<i64: 1000, 128>}]} {
    %get3A = arith.constant 0 : index
    %get3A_0 = arith.constant 0 : index
    %get3A_1 = arith.constant 0 : index
    %get3A_2 = vector.load %arg2[%get3A, %get3A_0, %get3A_1] : memref<2x1000x128xbf16, #tpu.memory_space<vmem>>, vector<1x1000x128xbf16>
    %get3A_3 = vector.shape_cast %get3A_2 : vector<1x1000x128xbf16> to vector<1000x128xbf16>
    %convert_element_type3A = arith.extf %get3A_3 : vector<1000x128xbf16> to vector<1000x128xf32>
    %get3A_4 = arith.constant 1 : index
    %get3A_5 = arith.constant 0 : index
    %get3A_6 = arith.constant 0 : index
    %get3A_7 = vector.load %arg2[%get3A_4, %get3A_5, %get3A_6] : memref<2x1000x128xbf16, #tpu.memory_space<vmem>>, vector<1x1000x128xbf16>
    %get3A_8 = vector.shape_cast %get3A_7 : vector<1x1000x128xbf16> to vector<1000x128xbf16>
    %convert_element_type3A_9 = arith.extf %get3A_8 : vector<1000x128xbf16> to vector<1000x128xf32>
    %add3A = arith.addf %convert_element_type3A, %convert_element_type3A_9 : vector<1000x128xf32>
    %get3A_10 = arith.constant 0 : index
    %get3A_11 = arith.constant 0 : index
    %get3A_12 = arith.constant 0 : index
    %get3A_13 = vector.load %arg3[%get3A_10, %get3A_11, %get3A_12] : memref<2x1000x16xf32, #tpu.memory_space<vmem>>, vector<1x1000x1xf32>
    %get3A_14 = vector.shape_cast %get3A_13 : vector<1x1000x1xf32> to vector<1000x1xf32>
    %get3A_15 = arith.constant 1 : index
    %get3A_16 = arith.constant 0 : index
    %get3A_17 = arith.constant 0 : index
    %get3A_18 = vector.load %arg3[%get3A_15, %get3A_16, %get3A_17] : memref<2x1000x16xf32, #tpu.memory_space<vmem>>, vector<1x1000x1xf32>
    %get3A_19 = vector.shape_cast %get3A_18 : vector<1x1000x1xf32> to vector<1000x1xf32>
    %add3A_20 = arith.addf %get3A_14, %get3A_19 : vector<1000x1xf32>
    %max3A = arith.constant 1.000000e+00 : f32
    %max3A_21 = vector.broadcast %max3A : f32 to vector<1000x1xf32>
    %max3A_22 = arith.maximumf %add3A_20, %max3A_21 : vector<1000x1xf32>
    %div3A = vector.broadcast %max3A_22 : vector<1000x1xf32> to vector<1000x128xf32>
    %div3A_23 = arith.divf %add3A, %div3A : vector<1000x128xf32>
    %get3A_24 = arith.constant 0 : index
    %get3A_25 = arith.constant 0 : index
    %get3A_26 = vector.load %arg4[%get3A_24, %get3A_25] : memref<128x128xf32, #tpu.memory_space<vmem>>, vector<128x128xf32>
    %dot_general3A = arith.constant dense<0.000000e+00> : vector<1000x128xf32>
    %dot_general3A_27 = tpu.matmul %div3A_23, %get3A_26, %dot_general3A {dimension_numbers = #tpu.dot_dimension_numbers<[1], [1], [0], [0], [0, 0, 1, 0], [], []>, transpose_lhs_hint = false} : vector<1000x128xf32>, vector<128x128xf32>, vector<1000x128xf32> -> vector<1000x128xf32>
    %get3A_28 = arith.constant 0 : index
    %get3A_29 = arith.constant 0 : index
    %get3A_30 = vector.load %arg1[%get3A_28, %get3A_29] : memref<1000x128xf32, #tpu.memory_space<vmem>>, vector<1000x128xf32>
    %get3A_31 = arith.constant 0 : index
    %get3A_32 = arith.constant 0 : index
    %get3A_33 = vector.load %arg5[%get3A_31, %get3A_32] : memref<128x128xf32, #tpu.memory_space<vmem>>, vector<128x128xf32>
    %dot_general3A_34 = arith.constant dense<0.000000e+00> : vector<1000x128xf32>
    %dot_general3A_35 = tpu.matmul %get3A_30, %get3A_33, %dot_general3A_34 {dimension_numbers = #tpu.dot_dimension_numbers<[1], [1], [0], [0], [0, 0, 1, 0], [], []>, transpose_lhs_hint = false} : vector<1000x128xf32>, vector<128x128xf32>, vector<1000x128xf32> -> vector<1000x128xf32>
    %add3A_36 = arith.addf %dot_general3A_27, %dot_general3A_35 : vector<1000x128xf32>
    %get3A_37 = arith.constant 0 : index
    %get3A_38 = arith.constant 0 : index
    %get3A_39 = vector.load %arg6[%get3A_37, %get3A_38] : memref<1x128xf32, #tpu.memory_space<vmem>>, vector<1x128xf32>
    %add3A_40 = vector.broadcast %get3A_39 : vector<1x128xf32> to vector<1000x128xf32>
    %add3A_41 = arith.addf %add3A_36, %add3A_40 : vector<1000x128xf32>
    %max3A_42 = arith.constant 0.000000e+00 : f32
    %max3A_43 = vector.broadcast %max3A_42 : f32 to vector<1000x128xf32>
    %max3A_44 = arith.maximumf %add3A_41, %max3A_43 : vector<1000x128xf32>
    %swap3A = arith.constant 0 : index
    %swap3A_45 = arith.constant 0 : index
    %swap3A_46 = vector.load %arg7[%swap3A, %swap3A_45] : memref<1000x128xf32, #tpu.memory_space<vmem>>, vector<1000x128xf32>
    tpu.vector_store %arg7[%swap3A, %swap3A_45], %max3A_44 {strides = array<i32>} : memref<1000x128xf32, #tpu.memory_space<vmem>>, vector<1000x128xf32>,
    return
  }
  func.func @transform_0(%arg0: i32) -> (i32, i32) {
    %c0_i32 = arith.constant 0 : i32
    %c0_i32_0 = arith.constant 0 : i32
    return %arg0, %c0_i32 : i32, i32
  }
  func.func @transform_1(%arg0: i32) -> (i32, i32, i32) {
    %c0_i32 = arith.constant 0 : i32
    %c0_i32_0 = arith.constant 0 : i32
    %c0_i32_1 = arith.constant 0 : i32
    return %c0_i32, %arg0, %c0_i32_0 : i32, i32, i32
  }
  func.func @transform_2(%arg0: i32) -> (i32, i32, i32) {
    %c0_i32 = arith.constant 0 : i32
    %c0_i32_0 = arith.constant 0 : i32
    %c0_i32_1 = arith.constant 0 : i32
    return %c0_i32, %arg0, %c0_i32_0 : i32, i32, i32
  }
  func.func @transform_3(%arg0: i32) -> (i32, i32) {
    %c0_i32 = arith.constant 0 : i32
    %c0_i32_0 = arith.constant 0 : i32
    %c0_i32_1 = arith.constant 0 : i32
    return %c0_i32, %c0_i32_0 : i32, i32
  }
  func.func @transform_4(%arg0: i32) -> (i32, i32) {
    %c0_i32 = arith.constant 0 : i32
    %c0_i32_0 = arith.constant 0 : i32
    %c0_i32_1 = arith.constant 0 : i32
    return %c0_i32, %c0_i32_0 : i32, i32
  }
  func.func @transform_5(%arg0: i32) -> (i32, i32) {
    %c0_i32 = arith.constant 0 : i32
    %c0_i32_0 = arith.constant 0 : i32
    %c0_i32_1 = arith.constant 0 : i32
    return %c0_i32, %c0_i32_0 : i32, i32
  }
  func.func @transform_6(%arg0: i32) -> (i32, i32) {
    %c0_i32 = arith.constant 0 : i32
    %c0_i32_0 = arith.constant 0 : i32
    return %arg0, %c0_i32 : i32, i32
  }
}

</mosaic_0001>

<sc_bundles>
// kernel: kernel.4.cloned.1.call-start
scs
__scs_entry_jumppad:
0x0: {  	(pc) =	sbr.rel $0x88, $3  }
0x1: {  	(tag) =	ssettag $0x0;
	lr =	simm.s32 $0x1  }
0x2: {  	[smem:$0x3F9C] =	sst lr;
	_ =	strace $0xD0000000  }
0x3: {  	_ = 	snop  }
0x4: {  	_ = 	snop  }
0x5: {  	_ = 	snop  }
0x6: {  	_ = 	snop  }
0x7: {  	_ = 	snop  }
__scs_overlays_trampoline_lowered:
0x8: {  	[smem:$0x3FAB] =	sst s0  }
0x9: {  	[smem:$0x3FAC] =	sst s1  }
0xa: {  	[smem:$0x3FAD] =	sst s2  }
0xb: {  	[smem:$0x3FAE] =	sst s3  }
0xc: {  	[smem:$0x3FAF] =	sst s4  }
0xd: {  	[smem:$0x3FB0] =	sst s5  }
0xe: {  	[smem:$0x3FB1] =	sst s6  }
0xf: {  	[smem:$0x3FB2] =	sst s7  }
0x10: {  	[smem:$0x3FB3] =	sst s8  }
0x11: {  	[smem:$0x3FB4] =	sst s9;
	s0 =	simm.s32 @!p0 $0x0  }
0x12: {  	s1 =	sld [smem:$0x3F9A];
	s0 =	simm.s32 @p0 $0x1  }
0x13: {  	[smem:$0x3FB5] =	sst s0;
	s0 =	simm.s32 @!p1 $0x0  }
0x14: {  	s2 =	sld [smem:$0x3F99];
	s0 =	simm.s32 @p1 $0x1  }
0x15: {  	[smem:$0x3FB6] =	sst s0;
	s0 =	simm.s32 @!p2 $0x0  }
0x16: {  	s3 =	sld [smem:$0x3FDB];
	s0 =	simm.s32 @p2 $0x1  }
0x17: {  	s4 =	simm.s32 $0x1BF5;
	[smem:$0x3FB8] =	sst s0  }
0x18: {  	s0 =	sld [smem:$0x3F9B];
	_ =	swait.ge [sflag:s4], $0x0  }
0x19: {  	s7 =	sld [smem:$0x3F9C]  }
0x1a: {  	s8 =	sadd.s32 $0xFFFFE003, lr  }
0x1b: {  	s9 =	sadd.s32 $0xFFFFFEF7, lr;
	s5 =	simm.s32 $0xFFFFFFFF;
	p2 =	slt.u32 s8, $0xFFFFF086  }
0x1c: {  	p1 =	slt.u32 s9, $0xF7A;
	s5 =	simm.s32 @!p2 $0x0  }
0x1d: {  	s5 =	simm.s32 @p1 $0x1;
	p0 =	seq.s32 s7, s2  }
0x1e: {  	s7 =	smul.u32 @!p0 $0xF7A, s2;
	p2 =	seq.s32 @!p0 s5, $0x0  }
0x1f: {  	s9 =	smul.u32 $0xF7A, s1;
	s8 =	simm.s32 @!p0 $0x1BF5;
	p2 =	por !p2, p0  }
0x20: {  	[sflag:s8] =	ssyncset.s32 @!p0 $0xFFFFF086;
	s6 =	sadd.s32 @!p0 s3, s7;
	s7 =	simm.s32 @!p0 $0x108  }
0x21: {  	s3 =	sadd.s32 s3, s9;
	s6 =	sadd.s32 @!p0 $0x88, s6;
	s7 =	simm.s32 @p2 $0x1082  }
0x22: {  	[simem:s7], [sflag:s8] =	dma.local @!p0 [hbm:s6], $0xF7A  }
0x23: {  	s9 =	sor.u32 $0xD0000000, s2;
	s6 =	simm.s32 $0x108;
	_ =	swait.ge @!p0 [sflag:s8], $0x0  }
0x24: {  	s3 =	sadd.s32 $0x88, s3;
	s6 =	simm.s32 @!p1 $0x1082;
	[sflag:s4] =	ssyncset.s32 $0xFFFFF086  }
0x25: {  	[simem:s6], [sflag:s4] =	dma.local [hbm:s3], $0xF7A  }
0x26: {  	[smem:$0x3F9C] =	sst s1;
	(tag) =	ssettag s2;
	_ =	strace s9  }
0x27: {  	s1 =	sld [smem:$0x3FAC]  }
0x28: {  	s2 =	sld [smem:$0x3FAD]  }
0x29: {  	s4 =	sld [smem:$0x3FAF]  }
0x2a: {  	p0 =	seq.s32 s5, $0x0;
	s5 =	sld [smem:$0x3FB0]  }
0x2b: {  	s6 =	sld [smem:$0x3FB1]  }
0x2c: {  	s7 =	sld [smem:$0x3FB2]  }
0x2d: {  	s3 =	simm.s32 $0x108;
	s8 =	sld [smem:$0x3FB3]  }
0x2e: {  	s3 =	simm.s32 @!p0 $0x1082;
	s9 =	sld [smem:$0x3FB4]  }
0x2f: {  	lr =	sadd.s32 s0, s3;
	s0 =	sld [smem:$0x3FAB]  }
0x30: {  	s3 =	sld [smem:$0x3FAE]  }
0x31: {  	[smem:$0x3FB7] =	sst s10  }
0x32: {  	s10 =	sld [smem:$0x3FB5];
	_ =	sdelay $0x3  }
0x33: {  	p0 =	seq.s32 s10, $0x1;
	s10 =	sld [smem:$0x3FB7];
	_ =	sdelay $0x3  }
0x34: {  	[smem:$0x3FB7] =	sst s10  }
0x35: {  	s10 =	sld [smem:$0x3FB6];
	_ =	sdelay $0x3  }
0x36: {  	p1 =	seq.s32 s10, $0x1;
	s10 =	sld [smem:$0x3FB7];
	_ =	sdelay $0x3  }
0x37: {  	[smem:$0x3FB7] =	sst s10  }
0x38: {  	s10 =	sld [smem:$0x3FB8]  }
0x39: {  	_ = 	snop;
	(pc) =	sbr.ind lr, $3  }
0x3a: {  	_ = 	snop  }
0x3b: {  	_ = 	snop  }
0x3c: {  	p2 =	seq.s32 s10, $0x1;
	s10 =	sld [smem:$0x3FB7]  }
0x3d: {  	_ =	shalt  }
0x3e: {  	_ =	shalt  }
0x3f: {  	_ =	shalt  }
0x40: {  	_ =	shalt  }
0x41: {  	_ =	shalt  }
0x42: {  	_ =	shalt  }
0x43: {  	_ =	shalt  }
0x44: {  	_ =	shalt  }
0x45: {  	_ =	shalt  }
0x46: {  	_ =	shalt  }
0x47: {  	_ =	shalt  }
0x48: {  	_ =	shalt  }
0x49: {  	_ =	shalt  }
0x4a: {  	_ =	shalt  }
0x4b: {  	_ =	shalt  }
0x4c: {  	_ =	shalt  }
0x4d: {  	_ =	shalt  }
0x4e: {  	_ =	shalt  }
0x4f: {  	_ =	shalt  }
0x50: {  	_ =	shalt  }
0x51: {  	_ =	shalt  }
0x52: {  	_ =	shalt  }
0x53: {  	_ =	shalt  }
0x54: {  	_ =	shalt  }
0x55: {  	_ =	shalt  }
0x56: {  	_ =	shalt  }
0x57: {  	_ =	shalt  }
0x58: {  	_ =	shalt  }
0x59: {  	_ =	shalt  }
0x5a: {  	_ =	shalt  }
0x5b: {  	_ =	shalt  }
0x5c: {  	_ =	shalt  }
0x5d: {  	_ =	shalt  }
0x5e: {  	_ =	shalt  }
0x5f: {  	_ =	shalt  }
0x60: {  	_ =	shalt  }
0x61: {  	_ =	shalt  }
0x62: {  	_ =	shalt  }
0x63: {  	_ =	shalt  }
0x64: {  	_ =	shalt  }
0x65: {  	_ =	shalt  }
0x66: {  	_ =	shalt  }
0x67: {  	_ =	shalt  }
0x68: {  	_ =	shalt  }
0x69: {  	_ =	shalt  }
0x6a: {  	_ =	shalt  }
0x6b: {  	_ =	shalt  }
0x6c: {  	_ =	shalt  }
0x6d: {  	_ =	shalt  }
0x6e: {  	_ =	shalt  }
0x6f: {  	_ =	shalt  }
0x70: {  	_ =	shalt  }
0x71: {  	_ =	shalt  }
0x72: {  	_ =	shalt  }
0x73: {  	_ =	shalt  }
0x74: {  	_ =	shalt  }
0x75: {  	_ =	shalt  }
0x76: {  	_ =	shalt  }
0x77: {  	_ =	shalt  }
0x78: {  	_ =	shalt  }
0x79: {  	_ =	shalt  }
0x7a: {  	_ =	shalt  }
0x7b: {  	_ =	shalt  }
0x7c: {  	_ =	shalt  }
0x7d: {  	_ =	shalt  }
0x7e: {  	_ =	shalt  }
0x7f: {  	_ =	shalt  }
0x80: {  	_ =	shalt  }
0x81: {  	_ =	shalt  }
0x82: {  	_ =	shalt  }
0x83: {  	_ =	shalt  }
0x84: {  	_ =	shalt  }
0x85: {  	_ =	shalt  }
0x86: {  	_ =	shalt  }
0x87: {  	_ =	shalt  }
.Lfunc_end0:
.L_simem_size_0:
called_computation_lowered:
.L_overlay_start_0:
0x88: {  	s2 =	sld [smem:$0x3FD9]  }
0x89: {  	s3 =	sld [smem:$0x3FFE];
	_ =	sdelay $0x1  }
0x8a: {  	s1 =	srdreg.scid  }
0x8b: {  	s0 =	sand.u32 $0x1, s1  }
0x8c: {  	s17 =	sshll.u32 s0, $0xA;
	s2 =	sadd.s32 s3, s2  }
0x8d: {  	s2 =	sadd.s32 s2, s17  }
0x8e: {  	[smem:$0x3FC3] =	sst s2  }
0x8f: {  	_ = 	snop  }
0x90: {  	s2 =	sld [smem:$0x3FD0];
	(tm) =	ssettm $0x1  }
0x91: {  	s18 =	sld [smem:$0x3FFB];
	_ =	sdelay $0x3  }
0x92: {  	_ =	strace s18  }
0x93: {  	s3 =	sld [smem:$0x3FFC];
	_ =	sdelay $0x3  }
0x94: {  	_ =	strace s3  }
0x95: {  	s3 =	sld [smem:$0x3FFD];
	_ =	sdelay $0x3  }
0x96: {  	_ =	strace s3  }
0x97: {  	_ =	strace $0x8FFFFFFF  }
0x98: {  	s19 =	sld [smem:$0x3FDB];
	_ =	sdelay $0x1  }
0x99: {  	s4 =	simm.s32 $_scs_section_size  }
0x9a: {  	s5 =	simm.s32 $_size__tile_overlayer_lowered;
	s6 =	simm.s32 $_tile_overlayer_lowered  }
0x9b: {  	s22 =	simm.s32 $0x1BFF;
	s21 =	sshll.u32 s6, $0x1;
	s3 =	sadd.s32 s4, s19  }
0x9c: {  	s7 =	simm.s32 $0x0;
	s20 =	sshll.u32 s5, $0x1;
	s5 =	sadd.s32 s21, s3  }
0x9d: {  	[timem:s7], [sflag:s22] =	dma.local [hbm:s5], s20  }
0x9e: {  	_ =	swait.ge [sflag:s22], s20  }
0x9f: {  	s4 =	ssub.s32 $0x0, s20;
	[sflag:s22] =	ssyncset.done $0x0  }
0xa0: {  	[sflag:s22] =	ssyncadd.s32 s4;
	_ =	sdelay $0x1  }
0xa1: {  	s23 =	simm.s32 $0x1B8B  }
0xa2: {  	_ =	swait.ge [sflag:s23], $0x1  }
0xa3: {  	[sflag:s23] =	ssyncset.done $0x0  }
0xa4: {  	s25 =	simm.s32 $0x1B8E;
	s24 =	sld [smem:$0x3FFE];
	[sflag:s23] =	ssyncadd.s32 $0xFFFFFFFF  }
0xa5: {  	s26 =	simm.s32 $execute0_lowered;
	[smem:$0x3FD2] =	sst s25  }
0xa6: {  	s5 =	sshll.u32 s26, $0x1;
	_ =	strace $0x80000046;
	[dreg:$0x1] =	wrdreg $0xFFFFFFFF  }
0xa7: {  	s28 =	simm.s32 $_size_execute0_lowered;
	s3 =	sadd.s32 s3, s5;
	[dreg:$0x0] =	wrdreg $0x0  }
0xa8: {  	s5 =	sshll.u32 s28, $0x1;
	[dreg:$0x2] =	wrdreg s3  }
0xa9: {  	[dreg:$0x3] =	wrdreg s5  }
0xaa: {  	[dreg:$0x4] =	wrdreg $0xC0  }
0xab: {  	_ =	task [dreg:s7], $0x5FFFF  }
0xac: {  	[dreg:$0x1] =	wrdreg $0xFFFFFFFF  }
0xad: {  	[dreg:$0x0] =	wrdreg $0x60  }
0xae: {  	[dreg:$0x2] =	wrdreg s2  }
0xaf: {  	[dreg:$0x3] =	wrdreg s24  }
0xb0: {  	[dreg:$0x4] =	wrdreg $0xF4100  }
0xb1: {  	[dreg:$0x5] =	wrdreg $0x192100  }
0xb2: {  	[dreg:$0x6] =	wrdreg $0x9  }
0xb3: {  	_ =	task.clear_ibuf [dreg:s7], $0x7FFFF;
	_ =	strace $0x90000046  }
0xb4: {  	s29 =	simm.s32 $0x9;
	_ =	strace $0x80000048  }
0xb5: {  	_ =	swait.ge [sflag:s29], $0x1  }
0xb6: {  	[sflag:s29] =	ssyncadd.s32 $0xFFFFFFFF  }
0xb7: {  	_ =	strace $0x90000048  }
0xb8: {  	_ =	sfence  }
0xb9: {  	s30 =	sld [smem:$0x0];
	_ =	sdelay $0x2  }
0xba: {  	s31 =	sshll.u32 s1, $0xD;
	s1 =	sshrl.u32 s1, $0x2  }
0xbb: {  	s3 =	sand.u32 $0x4000, s31;
	s1 =	sadd.s32 s1, s30  }
0xbc: {  	s0 =	sor.u32 s3, s0;
	s1 =	sshll.u32 s1, $0x11  }
0xbd: {  	s0 =	sor.u32 s1, s0  }
0xbe: {  	s0 =	sadd.s32 $0x8F2B, s0  }
0xbf: {  	[sflag:s0] =	ssyncadd.remote.s32 $0x1  }
0xc0: {  	_ =	sfence.sel $0xFFFF  }
0xc1: {  	[dreg:$0x0] =	wrdreg $0xFFFFFFFF;
	(pc) =	sbr.abs _section_cstart, $3  }
0xc2: {  	[dreg:$0x1] =	wrdreg $0xFFFFFFFF  }
0xc3: {  	_ =	task.clear_ibuf [dreg:s7], $0x2FFFF;
	_ =	strace $0x9FFFFFFF  }
0xc4: {  	(tm) =	ssettm $0x7FFFFFFF  }
0xc5: {  	_ =	shalt  }
tec
execute0_lowered:
.L_overlay_start_1:
0x0: {  	(tag) =	ssettag $0x1  }
0x1: {  	s0 =	rddreg [dreg:$0x0]  }
0x2: {  	s2 =	rddreg [dreg:$0x1]  }
0x3: {  	s1 =	rddreg [dreg:$0x2]  }
0x4: {  	s3 =	rddreg [dreg:$0x3];
	s4 =	simm.s32 $0x0  }
0x5: {  	s5 =	srdreg.scid;
	s12 =	stileid.u32;
	s14 =	simm.s32 $0x6  }
0x6: {  	s16 =	simm.s32 $0xEC40;
	s28 =	simm.s32 $0xADC0;
	s29 =	simm.s32 $0x1  }
0x7: {  	s30 =	simm.s32 $0xCD00;
	s31 =	simm.s32 $0x2;
	s15 =	simm.s32 $0x5  }
0x8: {  	[smem:$0x7FF] =	sst s4;
	s6 =	sand.u32 $0x1, s5;
	s7 =	smul.u32 $0x13C00, s12  }
0x9: {  	s5 =	sadd.s32 $0x2C00, s2;
	s9 =	sadd.s32 $0x1800, s2;
	s10 =	smul.u32 $0x2780, s12  }
0xa: {  	s13 =	sadd.s32 $0x16600, s2;
	s20 =	sadd.s32 $0x1600, s2;
	s26 =	sshll.u32 s12, $0x6  }
0xb: {  	_ =	strace $0x80000047;
	s8 =	smul.u32 $0x13C000, s6;
	[dreg:$0x5] =	wrdreg s9  }
0xc: {  	s19 =	sshll.u32 s6, $0x4;
	s11 =	smul.u32 $0x27800, s6;
	[dreg:$0x6] =	wrdreg s13  }
0xd: {  	[dreg:$0x7] =	wrdreg s20;
	s6 =	ssub.s32 $0x2, s6;
	s17 =	sor.u32 $0x1C06, s26  }
0xe: {  	s20 =	simm.s32 $0x7D;
	s26 =	simm.s32 $0x4E00;
	s9 =	sor.u32 s12, s19  }
0xf: {  	s21 =	sshrl.u32 s6, $0x1;
	s24 =	sshrl.u32 s7, $0x1;
	s25 =	sadd.s32 s10, s3  }
0x10: {  	s8 =	sadd.s32 s7, s8;
	s9 =	smul.u32 $0x2800, s9;
	s11 =	sadd.s32 s10, s11  }
0x11: {  	s22 =	ssub.s32 s6, s21;
	s6 =	sadd.s32 s24, s1;
	s19 =	sshrl.u32 s25, $0x3  }
0x12: {  	s21 =	simm.s32 $0x5000;
	s25 =	simm.s32 $0x8E80;
	s24 =	simm.s32 $0x4E80  }
0x13: {  	s7 =	simm.s32 $0x4F80;
	s8 =	sshrl.u32 s8, $0x4;
	s11 =	sshrl.u32 s11, $0x3  }
0x14: {  	s13 =	smax.u32 s22, $0x1;
	s18 =	sshrl.u32 s6, $0x3;
	s22 =	simm.s32 $0x4D80  }
0x15: {  	s6 =	simm.s32 $0x4F00;
	s8 =	sadd.s32 s8, s2;
	s9 =	sshrl.u32 s9, $0x3  }
0x16: {  	s2 =	sadd.s32 s11, s2;
	s9 =	sadd.s32 s0, s9;
	s8 =	sadd.s32 $0x16C00, s8  }
0x17: {  	s2 =	sadd.s32 $0x3E400, s2;
	s0 =	simm.s32 $0x3;
	[dreg:$0x9] =	wrdreg s8  }
0x18: {  	s23 =	sadd.s32 $0xA000, s9;
	[dreg:$0xa] =	wrdreg s2;
	s2 =	simm.s32 $0x4  }
0x19: {  	s8 =	simm.s32 $0x0;
	[dreg:$0x8] =	wrdreg s23;
	s23 =	simm.s32 $0x6F40  }
.LBB2_1:
0x1a: {  	[tilespmem:s4], [sflag:$0x6] =	stream.linear.gather [hbm4b:s9+s4], $0x2800, $0x38;
	[tilespmem:$0x1B990] =	vst v63  }
0x1b: {  	_ =	swait.ge [sflag:s14], $0x2800  }
0x1c: {  	[sflag:s14] =	ssyncset.done $0x0  }
0x1d: {  	s11 =	simm.s32 $0x2800;
	s10 =	rddreg [dreg:$0x8];
	[sflag:s14] =	ssyncadd.s32 $0xFFFFD800  }
0x1e: {  	[tilespmem:s11], [sflag:$0x6] =	stream.linear.gather [hbm4b:s10+s4], $0x2800, $0x38;
	[tilespmem:$0x1B990] =	vst v63  }
0x1f: {  	_ =	swait.ge [sflag:s14], $0x2800  }
0x20: {  	[sflag:s14] =	ssyncset.done $0x0  }
0x21: {  	s12 =	rddreg [dreg:$0x7];
	[sflag:s14] =	ssyncadd.s32 $0xFFFFD800  }
0x22: {  	[tilespmem:s16], [sflag:$0x6] =	stream.linear.gather [hbm4b:s12+s4], $0x7D0, $0x38;
	[tilespmem:$0x1B990] =	vst v63  }
0x23: {  	_ =	swait.ge [sflag:s14], $0x7D0  }
0x24: {  	[sflag:s14] =	ssyncset.done $0x0  }
0x25: {  	s11 =	rddreg [dreg:$0x5];
	[sflag:s14] =	ssyncadd.s32 $0xFFFFF830  }
0x26: {  	[spmem:s18], [sflag:s17] =	dma.local [hbm:s11], $0x13C0  }
0x27: {  	_ =	swait.ge [sflag:s14], $0x13C0  }
0x28: {  	[sflag:s14] =	ssyncset.done $0x0  }
0x29: {  	s12 =	rddreg [dreg:$0x6];
	[sflag:s14] =	ssyncadd.s32 $0xFFFFEC40  }
0x2a: {  	[spmem:s19], [sflag:s17] =	dma.local [hbm:s12], $0x4F0  }
0x2b: {  	_ =	swait.ge [sflag:s14], $0x4F0  }
0x2c: {  	[sflag:s14] =	ssyncset.done $0x0  }
0x2d: {  	[sflag:s14] =	ssyncadd.s32 $0xFFFFFB10  }
0x2e: {  	[bflag:$0x0] =	sbarrier.arrive $0xFFFF  }
0x2f: {  	[tilespmem:s21], [sflag:$0x1] =	stream.indirect.gather [hbm4b:s5+s20], $0x40, s4, s20, $0xb8;
	[tilespmem:$0x1B990] =	vst v63  }
0x30: {  	s11 =	simm.s32 $0x80  }
0x31: {  	[tilespmem:s23], [sflag:$0x2] =	stream.indirect.gather [hbm4b:s5+s20], $0x40, s11, s20, $0xb8;
	[tilespmem:$0x1B990] =	vst v63  }
0x32: {  	s12 =	simm.s32 $0x100  }
0x33: {  	[tilespmem:s25], [sflag:$0x3] =	stream.indirect.gather [hbm4b:s5+s20], $0x40, s12, s20, $0xb8;
	[tilespmem:$0x1B990] =	vst v63  }
0x34: {  	s11 =	simm.s32 $0x180  }
0x35: {  	[tilespmem:s28], [sflag:$0x4] =	stream.indirect.gather [hbm4b:s5+s20], $0x40, s11, s20, $0xb8;
	[tilespmem:$0x1B990] =	vst v63  }
0x36: {  	_ =	swait.ge [sflag:s29], $0x1F40  }
0x37: {  	[sflag:s29] =	ssyncset.done $0x0  }
0x38: {  	s12 =	simm.s32 $0x2800;
	[sflag:s29] =	ssyncadd.s32 $0xFFFFE0C0  }
0x39: {  	[spmem:s1] =	stream.indirect.scatter.add.bf16 [tilespmem:s21], [sflag:$0x6], $0x40, s12, s20, $0xb8;
	[tilespmem:$0x1B990] =	vst v63  }
0x3a: {  	_ =	swait.ge [sflag:s14], $0x1F40  }
0x3b: {  	[sflag:s14] =	ssyncset.done $0x0  }
0x3c: {  	[sflag:s14] =	ssyncadd.s32 $0xFFFFE0C0  }
0x3d: {  	[spmem:s3] =	stream.indirect.scatter.add.f32 [tilespmem:s16], [sflag:$0x6], $0x10, s12, s20, $0xb8;
	[tilespmem:$0x1B990] =	vst v63  }
0x3e: {  	_ =	swait.ge [sflag:s14], $0x7D0  }
0x3f: {  	[sflag:s14] =	ssyncset.done $0x0  }
0x40: {  	s11 =	simm.s32 $0x200;
	[sflag:s14] =	ssyncadd.s32 $0xFFFFF830  }
0x41: {  	[tilespmem:s30], [sflag:$0x5] =	stream.indirect.gather [hbm4b:s5+s20], $0x40, s11, s20, $0xb8;
	[tilespmem:$0x1B990] =	vst v63  }
0x42: {  	_ =	swait.ge [sflag:s31], $0x1F40  }
0x43: {  	[sflag:s31] =	ssyncset.done $0x0  }
0x44: {  	s12 =	simm.s32 $0x2880;
	[sflag:s31] =	ssyncadd.s32 $0xFFFFE0C0  }
0x45: {  	[spmem:s1] =	stream.indirect.scatter.add.bf16 [tilespmem:s23], [sflag:$0x6], $0x40, s12, s20, $0xb8;
	[tilespmem:$0x1B990] =	vst v63  }
0x46: {  	_ =	swait.ge [sflag:s14], $0x1F40  }
0x47: {  	[sflag:s14] =	ssyncset.done $0x0  }
0x48: {  	[sflag:s14] =	ssyncadd.s32 $0xFFFFE0C0  }
0x49: {  	[spmem:s3] =	stream.indirect.scatter.add.f32 [tilespmem:s16], [sflag:$0x6], $0x10, s12, s20, $0xb8;
	[tilespmem:$0x1B990] =	vst v63  }
0x4a: {  	_ =	swait.ge [sflag:s14], $0x7D0  }
0x4b: {  	[sflag:s14] =	ssyncset.done $0x0  }
0x4c: {  	s11 =	simm.s32 $0x280;
	[sflag:s14] =	ssyncadd.s32 $0xFFFFF830  }
0x4d: {  	[tilespmem:s21], [sflag:$0x1] =	stream.indirect.gather [hbm4b:s5+s20], $0x40, s11, s20, $0xb8;
	[tilespmem:$0x1B990] =	vst v63  }
0x4e: {  	_ =	swait.ge [sflag:s0], $0x1F40  }
0x4f: {  	[sflag:s0] =	ssyncset.done $0x0  }
0x50: {  	s12 =	simm.s32 $0x2900;
	[sflag:s0] =	ssyncadd.s32 $0xFFFFE0C0  }
0x51: {  	[spmem:s1] =	stream.indirect.scatter.add.bf16 [tilespmem:s25], [sflag:$0x6], $0x40, s12, s20, $0xb8;
	[tilespmem:$0x1B990] =	vst v63  }
0x52: {  	_ =	swait.ge [sflag:s14], $0x1F40  }
0x53: {  	[sflag:s14] =	ssyncset.done $0x0  }
0x54: {  	[sflag:s14] =	ssyncadd.s32 $0xFFFFE0C0  }
0x55: {  	[spmem:s3] =	stream.indirect.scatter.add.f32 [tilespmem:s16], [sflag:$0x6], $0x10, s12, s20, $0xb8;
	[tilespmem:$0x1B990] =	vst v63  }
0x56: {  	_ =	swait.ge [sflag:s14], $0x7D0  }
0x57: {  	[sflag:s14] =	ssyncset.done $0x0  }
0x58: {  	s11 =	simm.s32 $0x300;
	[sflag:s14] =	ssyncadd.s32 $0xFFFFF830  }
0x59: {  	[tilespmem:s23], [sflag:$0x2] =	stream.indirect.gather [hbm4b:s5+s20], $0x40, s11, s20, $0xb8;
	[tilespmem:$0x1B990] =	vst v63  }
0x5a: {  	_ =	swait.ge [sflag:s2], $0x1F40  }
0x5b: {  	[sflag:s2] =	ssyncset.done $0x0  }
0x5c: {  	s12 =	simm.s32 $0x2980;
	[sflag:s2] =	ssyncadd.s32 $0xFFFFE0C0  }
0x5d: {  	[spmem:s1] =	stream.indirect.scatter.add.bf16 [tilespmem:s28], [sflag:$0x6], $0x40, s12, s20, $0xb8;
	[tilespmem:$0x1B990] =	vst v63  }
0x5e: {  	_ =	swait.ge [sflag:s14], $0x1F40  }
0x5f: {  	[sflag:s14] =	ssyncset.done $0x0  }
0x60: {  	[sflag:s14] =	ssyncadd.s32 $0xFFFFE0C0  }
0x61: {  	[spmem:s3] =	stream.indirect.scatter.add.f32 [tilespmem:s16], [sflag:$0x6], $0x10, s12, s20, $0xb8;
	[tilespmem:$0x1B990] =	vst v63  }
0x62: {  	_ =	swait.ge [sflag:s14], $0x7D0  }
0x63: {  	[sflag:s14] =	ssyncset.done $0x0  }
0x64: {  	s11 =	simm.s32 $0x380;
	[sflag:s14] =	ssyncadd.s32 $0xFFFFF830  }
0x65: {  	[tilespmem:s25], [sflag:$0x3] =	stream.indirect.gather [hbm4b:s5+s20], $0x40, s11, s20, $0xb8;
	[tilespmem:$0x1B990] =	vst v63  }
0x66: {  	_ =	swait.ge [sflag:s15], $0x1F40  }
0x67: {  	[sflag:s15] =	ssyncset.done $0x0  }
0x68: {  	s12 =	simm.s32 $0x2A00;
	[sflag:s15] =	ssyncadd.s32 $0xFFFFE0C0  }
0x69: {  	[spmem:s1] =	stream.indirect.scatter.add.bf16 [tilespmem:s30], [sflag:$0x6], $0x40, s12, s20, $0xb8;
	[tilespmem:$0x1B990] =	vst v63  }
0x6a: {  	_ =	swait.ge [sflag:s14], $0x1F40  }
0x6b: {  	[sflag:s14] =	ssyncset.done $0x0  }
0x6c: {  	[sflag:s14] =	ssyncadd.s32 $0xFFFFE0C0  }
0x6d: {  	[spmem:s3] =	stream.indirect.scatter.add.f32 [tilespmem:s16], [sflag:$0x6], $0x10, s12, s20, $0xb8;
	[tilespmem:$0x1B990] =	vst v63  }
0x6e: {  	_ =	swait.ge [sflag:s14], $0x7D0  }
0x6f: {  	[sflag:s14] =	ssyncset.done $0x0  }
0x70: {  	s10 =	simm.s32 $0xA00;
	s11 =	simm.s32 $0x400;
	[sflag:s14] =	ssyncadd.s32 $0xFFFFF830  }
.LBB2_2:
0x71: {  	[tilespmem:s28], [sflag:$0x4] =	stream.indirect.gather [hbm4b:s5+s20], $0x40, s11, s20, $0xb8;
	[tilespmem:$0x1B990] =	vst v63  }
0x72: {  	s11 =	smov.u32 s10  }
0x73: {  	p0 =	sne.s32 s10, $0x8C00;
	s10 =	sadd.s32 $0xA00, s10;
	_ =	swait.ge [sflag:s29], $0x1F40  }
0x74: {  	s11 =	sshra.s32 s11, $0x2;
	[sflag:s29] =	ssyncset.done $0x0  }
0x75: {  	s12 =	sadd.s32 $0x2800, s11;
	[sflag:s29] =	ssyncadd.s32 $0xFFFFE0C0  }
0x76: {  	[spmem:s1] =	stream.indirect.scatter.add.bf16 [tilespmem:s21], [sflag:$0x6], $0x40, s12, s20, $0xb8;
	[tilespmem:$0x1B990] =	vst v63  }
0x77: {  	_ =	swait.ge [sflag:s14], $0x1F40  }
0x78: {  	[sflag:s14] =	ssyncset.done $0x0  }
0x79: {  	[sflag:s14] =	ssyncadd.s32 $0xFFFFE0C0  }
0x7a: {  	[spmem:s3] =	stream.indirect.scatter.add.f32 [tilespmem:s16], [sflag:$0x6], $0x10, s12, s20, $0xb8;
	[tilespmem:$0x1B990] =	vst v63  }
0x7b: {  	_ =	swait.ge [sflag:s14], $0x7D0  }
0x7c: {  	[sflag:s14] =	ssyncset.done $0x0  }
0x7d: {  	s12 =	sadd.s32 $0x200, s11;
	[sflag:s14] =	ssyncadd.s32 $0xFFFFF830  }
0x7e: {  	[tilespmem:s30], [sflag:$0x5] =	stream.indirect.gather [hbm4b:s5+s20], $0x40, s12, s20, $0xb8;
	[tilespmem:$0x1B990] =	vst v63  }
0x7f: {  	_ =	swait.ge [sflag:s31], $0x1F40  }
0x80: {  	[sflag:s31] =	ssyncset.done $0x0  }
0x81: {  	s12 =	sadd.s32 $0x2880, s11;
	[sflag:s31] =	ssyncadd.s32 $0xFFFFE0C0  }
0x82: {  	[spmem:s1] =	stream.indirect.scatter.add.bf16 [tilespmem:s23], [sflag:$0x6], $0x40, s12, s20, $0xb8;
	[tilespmem:$0x1B990] =	vst v63  }
0x83: {  	_ =	swait.ge [sflag:s14], $0x1F40  }
0x84: {  	[sflag:s14] =	ssyncset.done $0x0  }
0x85: {  	[sflag:s14] =	ssyncadd.s32 $0xFFFFE0C0  }
0x86: {  	[spmem:s3] =	stream.indirect.scatter.add.f32 [tilespmem:s16], [sflag:$0x6], $0x10, s12, s20, $0xb8;
	[tilespmem:$0x1B990] =	vst v63  }
0x87: {  	_ =	swait.ge [sflag:s14], $0x7D0  }
0x88: {  	[sflag:s14] =	ssyncset.done $0x0  }
0x89: {  	s12 =	sadd.s32 $0x280, s11;
	[sflag:s14] =	ssyncadd.s32 $0xFFFFF830  }
0x8a: {  	[tilespmem:s21], [sflag:$0x1] =	stream.indirect.gather [hbm4b:s5+s20], $0x40, s12, s20, $0xb8;
	[tilespmem:$0x1B990] =	vst v63  }
0x8b: {  	_ =	swait.ge [sflag:s0], $0x1F40  }
0x8c: {  	[sflag:s0] =	ssyncset.done $0x0  }
0x8d: {  	s12 =	sadd.s32 $0x2900, s11;
	[sflag:s0] =	ssyncadd.s32 $0xFFFFE0C0  }
0x8e: {  	[spmem:s1] =	stream.indirect.scatter.add.bf16 [tilespmem:s25], [sflag:$0x6], $0x40, s12, s20, $0xb8;
	[tilespmem:$0x1B990] =	vst v63  }
0x8f: {  	_ =	swait.ge [sflag:s14], $0x1F40  }
0x90: {  	[sflag:s14] =	ssyncset.done $0x0  }
0x91: {  	[sflag:s14] =	ssyncadd.s32 $0xFFFFE0C0  }
0x92: {  	[spmem:s3] =	stream.indirect.scatter.add.f32 [tilespmem:s16], [sflag:$0x6], $0x10, s12, s20, $0xb8;
	[tilespmem:$0x1B990] =	vst v63  }
0x93: {  	_ =	swait.ge [sflag:s14], $0x7D0  }
0x94: {  	[sflag:s14] =	ssyncset.done $0x0  }
0x95: {  	s12 =	sadd.s32 $0x300, s11;
	[sflag:s14] =	ssyncadd.s32 $0xFFFFF830  }
0x96: {  	[tilespmem:s23], [sflag:$0x2] =	stream.indirect.gather [hbm4b:s5+s20], $0x40, s12, s20, $0xb8;
	[tilespmem:$0x1B990] =	vst v63  }
0x97: {  	_ =	swait.ge [sflag:s2], $0x1F40  }
0x98: {  	[sflag:s2] =	ssyncset.done $0x0  }
0x99: {  	s12 =	sadd.s32 $0x2980, s11;
	[sflag:s2] =	ssyncadd.s32 $0xFFFFE0C0  }
0x9a: {  	[spmem:s1] =	stream.indirect.scatter.add.bf16 [tilespmem:s28], [sflag:$0x6], $0x40, s12, s20, $0xb8;
	[tilespmem:$0x1B990] =	vst v63  }
0x9b: {  	_ =	swait.ge [sflag:s14], $0x1F40  }
0x9c: {  	[sflag:s14] =	ssyncset.done $0x0  }
0x9d: {  	[sflag:s14] =	ssyncadd.s32 $0xFFFFE0C0  }
0x9e: {  	[spmem:s3] =	stream.indirect.scatter.add.f32 [tilespmem:s16], [sflag:$0x6], $0x10, s12, s20, $0xb8;
	[tilespmem:$0x1B990] =	vst v63  }
0x9f: {  	_ =	swait.ge [sflag:s14], $0x7D0  }
0xa0: {  	[sflag:s14] =	ssyncset.done $0x0  }
0xa1: {  	s12 =	sadd.s32 $0x380, s11;
	[sflag:s14] =	ssyncadd.s32 $0xFFFFF830  }
0xa2: {  	[tilespmem:s25], [sflag:$0x3] =	stream.indirect.gather [hbm4b:s5+s20], $0x40, s12, s20, $0xb8;
	[tilespmem:$0x1B990] =	vst v63  }
0xa3: {  	_ =	swait.ge [sflag:s15], $0x1F40  }
0xa4: {  	[sflag:s15] =	ssyncset.done $0x0  }
0xa5: {  	s12 =	sadd.s32 $0x2A00, s11;
	[sflag:s15] =	ssyncadd.s32 $0xFFFFE0C0  }
0xa6: {  	[spmem:s1] =	stream.indirect.scatter.add.bf16 [tilespmem:s30], [sflag:$0x6], $0x40, s12, s20, $0xb8;
	[tilespmem:$0x1B990] =	vst v63  }
0xa7: {  	_ =	swait.ge [sflag:s14], $0x1F40  }
0xa8: {  	[sflag:s14] =	ssyncset.done $0x0  }
.Ltmp0:
0xa9: {  	[sflag:s14] =	ssyncadd.s32 $0xFFFFE0C0;
	(pc) =	sbr.rel @p0 .LBB2_2-.Ltmp0, $4  }
0xaa: {  	[spmem:s3] =	stream.indirect.scatter.add.f32 [tilespmem:s16], [sflag:$0x6], $0x10, s12, s20, $0xb8;
	[tilespmem:$0x1B990] =	vst v63  }
0xab: {  	_ =	swait.ge [sflag:s14], $0x7D0  }
0xac: {  	[sflag:s14] =	ssyncset.done $0x0  }
0xad: {  	s11 =	sadd.s32 $0x400, s11;
	[sflag:s14] =	ssyncadd.s32 $0xFFFFF830  }
0xae: {  	[tilespmem:s28], [sflag:$0x4] =	stream.indirect.gather [hbm4b:s5+s20], $0x40, s11, s20, $0xb8;
	[tilespmem:$0x1B990] =	vst v63  }
0xaf: {  	_ =	swait.ge [sflag:s29], $0x1F40  }
0xb0: {  	[sflag:s29] =	ssyncset.done $0x0  }
0xb1: {  	[sflag:s29] =	ssyncadd.s32 $0xFFFFE0C0  }
0xb2: {  	[spmem:s1] =	stream.indirect.scatter.add.bf16 [tilespmem:s21], [sflag:$0x6], $0x40, s22, s20, $0xb8;
	[tilespmem:$0x1B990] =	vst v63  }
0xb3: {  	_ =	swait.ge [sflag:s14], $0x1F40  }
0xb4: {  	[sflag:s14] =	ssyncset.done $0x0  }
0xb5: {  	[sflag:s14] =	ssyncadd.s32 $0xFFFFE0C0  }
0xb6: {  	[spmem:s3] =	stream.indirect.scatter.add.f32 [tilespmem:s16], [sflag:$0x6], $0x10, s22, s20, $0xb8;
	[tilespmem:$0x1B990] =	vst v63  }
0xb7: {  	_ =	swait.ge [sflag:s14], $0x7D0  }
0xb8: {  	[sflag:s14] =	ssyncset.done $0x0  }
0xb9: {  	s10 =	simm.s32 $0x2780;
	[sflag:s14] =	ssyncadd.s32 $0xFFFFF830  }
0xba: {  	[tilespmem:s30], [sflag:$0x5] =	stream.indirect.gather [hbm4b:s5+s20], $0x40, s10, s20, $0xb8;
	[tilespmem:$0x1B990] =	vst v63  }
0xbb: {  	_ =	swait.ge [sflag:s31], $0x1F40  }
0xbc: {  	[sflag:s31] =	ssyncset.done $0x0  }
0xbd: {  	[sflag:s31] =	ssyncadd.s32 $0xFFFFE0C0  }
0xbe: {  	[spmem:s1] =	stream.indirect.scatter.add.bf16 [tilespmem:s23], [sflag:$0x6], $0x40, s26, s20, $0xb8;
	[tilespmem:$0x1B990] =	vst v63  }
0xbf: {  	_ =	swait.ge [sflag:s14], $0x1F40  }
0xc0: {  	[sflag:s14] =	ssyncset.done $0x0  }
0xc1: {  	[sflag:s14] =	ssyncadd.s32 $0xFFFFE0C0  }
0xc2: {  	[spmem:s3] =	stream.indirect.scatter.add.f32 [tilespmem:s16], [sflag:$0x6], $0x10, s26, s20, $0xb8;
	[tilespmem:$0x1B990] =	vst v63  }
0xc3: {  	_ =	swait.ge [sflag:s14], $0x7D0  }
0xc4: {  	[sflag:s14] =	ssyncset.done $0x0  }
0xc5: {  	[sflag:s14] =	ssyncadd.s32 $0xFFFFF830  }
0xc6: {  	_ =	swait.ge [sflag:s0], $0x1F40  }
0xc7: {  	[sflag:s0] =	ssyncset.done $0x0  }
0xc8: {  	[sflag:s0] =	ssyncadd.s32 $0xFFFFE0C0  }
0xc9: {  	[spmem:s1] =	stream.indirect.scatter.add.bf16 [tilespmem:s25], [sflag:$0x6], $0x40, s24, s20, $0xb8;
	[tilespmem:$0x1B990] =	vst v63  }
0xca: {  	_ =	swait.ge [sflag:s14], $0x1F40  }
0xcb: {  	[sflag:s14] =	ssyncset.done $0x0  }
0xcc: {  	[sflag:s14] =	ssyncadd.s32 $0xFFFFE0C0  }
0xcd: {  	[spmem:s3] =	stream.indirect.scatter.add.f32 [tilespmem:s16], [sflag:$0x6], $0x10, s24, s20, $0xb8;
	[tilespmem:$0x1B990] =	vst v63  }
0xce: {  	_ =	swait.ge [sflag:s14], $0x7D0  }
0xcf: {  	[sflag:s14] =	ssyncset.done $0x0  }
0xd0: {  	[sflag:s14] =	ssyncadd.s32 $0xFFFFF830  }
0xd1: {  	_ =	swait.ge [sflag:s2], $0x1F40  }
0xd2: {  	[sflag:s2] =	ssyncset.done $0x0  }
0xd3: {  	[sflag:s2] =	ssyncadd.s32 $0xFFFFE0C0  }
0xd4: {  	[spmem:s1] =	stream.indirect.scatter.add.bf16 [tilespmem:s28], [sflag:$0x6], $0x40, s6, s20, $0xb8;
	[tilespmem:$0x1B990] =	vst v63  }
0xd5: {  	_ =	swait.ge [sflag:s14], $0x1F40  }
0xd6: {  	[sflag:s14] =	ssyncset.done $0x0  }
0xd7: {  	[sflag:s14] =	ssyncadd.s32 $0xFFFFE0C0  }
0xd8: {  	[spmem:s3] =	stream.indirect.scatter.add.f32 [tilespmem:s16], [sflag:$0x6], $0x10, s6, s20, $0xb8;
	[tilespmem:$0x1B990] =	vst v63  }
0xd9: {  	_ =	swait.ge [sflag:s14], $0x7D0  }
0xda: {  	[sflag:s14] =	ssyncset.done $0x0  }
0xdb: {  	[sflag:s14] =	ssyncadd.s32 $0xFFFFF830  }
0xdc: {  	_ =	swait.ge [sflag:s15], $0x1F40  }
0xdd: {  	[sflag:s15] =	ssyncset.done $0x0  }
0xde: {  	[sflag:s15] =	ssyncadd.s32 $0xFFFFE0C0  }
0xdf: {  	[spmem:s1] =	stream.indirect.scatter.add.bf16 [tilespmem:s30], [sflag:$0x6], $0x40, s7, s20, $0xb8;
	[tilespmem:$0x1B990] =	vst v63  }
0xe0: {  	_ =	swait.ge [sflag:s14], $0x1F40  }
0xe1: {  	[sflag:s14] =	ssyncset.done $0x0  }
0xe2: {  	[sflag:s14] =	ssyncadd.s32 $0xFFFFE0C0  }
0xe3: {  	[spmem:s3] =	stream.indirect.scatter.add.f32 [tilespmem:s16], [sflag:$0x6], $0x10, s7, s20, $0xb8;
	[tilespmem:$0x1B990] =	vst v63  }
0xe4: {  	_ =	swait.ge [sflag:s14], $0x7D0  }
0xe5: {  	[sflag:s14] =	ssyncset.done $0x0  }
0xe6: {  	[sflag:s14] =	ssyncadd.s32 $0xFFFFF830  }
0xe7: {  	[bflag:$0x0] =	sbarrier.arrive $0xFFFF  }
0xe8: {  	s11 =	rddreg [dreg:$0x9]  }
0xe9: {  	[hbm:s11], [sflag:s17] =	dma.local [spmem:s18], $0x13C0  }
0xea: {  	s8 =	sadd.s32 $0x1, s8;
	_ =	swait.ge [sflag:s14], $0x13C0  }
0xeb: {  	p0 =	sne.s32 s8, s13;
	[sflag:s14] =	ssyncset.done $0x0  }
.Ltmp1:
0xec: {  	s12 =	rddreg [dreg:$0xa];
	[sflag:s14] =	ssyncadd.s32 $0xFFFFEC40;
	(pc) =	sbr.rel @p0 .LBB2_1-.Ltmp1, $4  }
0xed: {  	[hbm:s12], [sflag:s17] =	dma.local [spmem:s19], $0x4F0  }
0xee: {  	_ =	swait.ge [sflag:s14], $0x4F0  }
0xef: {  	[sflag:s14] =	ssyncset.done $0x0  }
0xf0: {  	[sflag:s14] =	ssyncadd.s32 $0xFFFFFB10  }
0xf1: {  	_ =	sfence.sel $0x180000  }
0xf2: {  	[bflag:$0x0] =	sbarrier.arrive $0xFFFF  }
0xf3: {  	_ =	strace $0x90000047  }
0xf4: {  	s0 =	stileid.u32;
	[bflag:$0x2] =	sbarrier.arrive $0xFFFF  }
0xf5: {  	p0 =	sne.s32 s0, $0x0;
	s0 =	rddreg [dreg:$0x4]  }
0xf6: {  	s0 =	sadd.s32 @!p0 $0x100000, s0  }
0xf7: {  	[sflag:s0] =	ssyncadd.tile.s32 @!p0 $0x1;
	_ =	shalt  }
.Lfunc_end2:
_tile_overlayer_lowered:
.L_overlay_start_2:
0xf8: {  	(tag) =	ssettag $0x2  }
0xf9: {  	s0 =	rddreg [dreg:$0x0];
	s2 =	stileid.u32  }
0xfa: {  	s1 =	rddreg [dreg:$0x1];
	p0 =	sne.s32 s2, $0x0  }
0xfb: {  	s3 =	rddreg [dreg:$0x2];
	[bflag:$0x3] =	sbarrier.arrive $0xFFFF;
	s2 =	simm.s32 @!p0 $0x1C06  }
0xfc: {  	[timem:s3], [sflag:s2] =	dma.local @!p0 [hbm:s0], s1  }
0xfd: {  	s0 =	simm.s32 @!p0 $0x6  }
0xfe: {  	_ =	swait.ge @!p0 [sflag:s0], s1  }
0xff: {  	s1 =	ssub.s32 @!p0 $0x0, s1;
	[sflag:s0] =	ssyncset.done @!p0 $0x0  }
0x100: {  	[sflag:s0] =	ssyncadd.s32 @!p0 s1  }
0x101: {  	[bflag:$0x3] =	sbarrier.arrive $0xFFFF  }
0x102: {  	_ =	shalt  }

</sc_bundles>
